<compile_context>
chip_gen: v7x
topology: tpu7x:2x2x1
jax: 0.10.2.dev20260603
libtpu: 0.0.44.dev20260713+nightly
codegen_flags: <defaults>
</compile_context>

<pallas_src>
import functools

import jax
import jax.numpy as jnp
from jax import lax
from jax.experimental import pallas as pl
from jax.experimental.pallas import tpu as pltpu
from jax.experimental.pallas import tpu_sc as plsc

N = 10000
NPAD = 10240
D = 128
H = 64
W = 80
E = 320000
LBL = 100000

NC = 2
NS = 16
NW = NC * NS
LANE = 16

EPT = E // NW
K = 400
NCHUNK = EPT // K
SCALE = 64.0
RPT = NPAD // NS

K2 = 400
NCH_DEC = LBL // K2
DEC_PER_TILE = (NCH_DEC + NW - 1) // NW


def _sc_mesh():
    return plsc.VectorSubcoreMesh(core_axis_name="c", subcore_axis_name="s",
                                  num_cores=NC, num_subcores=NS)


def _make_segsum():
    out_type = [jax.ShapeDtypeStruct((NC, NPAD, W), jnp.float32),
                jax.ShapeDtypeStruct((NC, NPAD, W), jnp.float32)]
    scratch = [
        pltpu.VMEM((EPT,), jnp.int32),
        pltpu.VMEM((NCHUNK, K), jnp.int32),
        pltpu.VMEM((K, W), jnp.float32),
        pltpu.VMEM_SHARED((NPAD, W), jnp.float32),
        pltpu.SemaphoreType.DMA,
    ]

    def body(t_a, src_a, dst_a, t_b, src_b, dst_b, zrow,
             acc_a_o, acc_b_o, idx_s, idx_d, rows_v, acc_sh, sem):
        cid = lax.axis_index("c")
        sid = lax.axis_index("s")
        wid = sid * NC + cid
        rbase = pl.multiple_of(sid * RPT, 8)

        def one_type(tbl, src, dst, acc_o):
            pltpu.sync_copy(
                src.at[pl.ds(pl.multiple_of(wid * EPT, 8), EPT)], idx_s)
            pltpu.sync_copy(dst.at[wid], idx_d)
            pltpu.sync_copy(zrow.at[pl.ds(rbase, RPT)],
                            acc_sh.at[pl.ds(rbase, RPT)])
            plsc.subcore_barrier()

            def chunk(ci, carry):
                sidx = idx_s.at[pl.ds(pl.multiple_of(ci * K, 8), K)]
                pltpu.async_copy(tbl.at[sidx], rows_v, sem).wait()
                pltpu.sync_copy(rows_v, acc_sh.at[idx_d.at[ci]], add=True)
                return carry

            lax.fori_loop(0, NCHUNK, chunk, 0)
            plsc.subcore_barrier()

            pltpu.sync_copy(acc_sh.at[pl.ds(rbase, RPT)],
                            acc_o.at[cid, pl.ds(rbase, RPT)])
            plsc.subcore_barrier()

        one_type(t_a, src_a, dst_a, acc_a_o)
        one_type(t_b, src_b, dst_b, acc_b_o)

    return pl.kernel(body, out_type=out_type, mesh=_sc_mesh(),
                     scratch_types=scratch,
                     compiler_params=pltpu.CompilerParams(
                         use_tc_tiling_on_sc=False))


def _make_decoder():
    out_type = [jax.ShapeDtypeStruct((LBL, W), jnp.float32),
                jax.ShapeDtypeStruct((LBL, W), jnp.float32)]
    scratch = [
        pltpu.VMEM((K2,), jnp.int32),
        pltpu.VMEM((K2,), jnp.int32),
        pltpu.VMEM((K2, W), jnp.float32),
        pltpu.VMEM((K2, W), jnp.float32),
        pltpu.SemaphoreType.DMA,
    ]

    def body(h_u, h_m, e_u, e_m, ug_o, mg_o, idx_u, idx_m, u_rows, m_rows,
             sem):
        cid = lax.axis_index("c")
        sid = lax.axis_index("s")
        wid = sid * NC + cid

        def per_j(j, carry):
            ch = j * NW + wid

            @pl.when(ch < NCH_DEC)
            def _():
                base = pl.multiple_of(ch * K2, 8)
                pltpu.sync_copy(e_u.at[pl.ds(base, K2)], idx_u)
                pltpu.sync_copy(e_m.at[pl.ds(base, K2)], idx_m)
                pltpu.async_copy(h_u.at[idx_u], u_rows, sem).wait()
                pltpu.async_copy(h_m.at[idx_m], m_rows, sem).wait()
                pltpu.sync_copy(u_rows, ug_o.at[pl.ds(base, K2)])
                pltpu.sync_copy(m_rows, mg_o.at[pl.ds(base, K2)])

            return carry

        lax.fori_loop(0, DEC_PER_TILE, per_j, 0)

    return pl.kernel(body, out_type=out_type, mesh=_sc_mesh(),
                     scratch_types=scratch,
                     compiler_params=pltpu.CompilerParams(
                         use_tc_tiling_on_sc=False))


def _tcdot_body(ug_r, mg_r, out_r):
    u = ug_r[...]
    m = mg_r[...]
    out_r[...] = jnp.sum(u[:, :H] * m[:, :H], axis=1, keepdims=True)


def _tcdot(ug, mg):
    RL = 2000
    return pl.pallas_call(
        _tcdot_body,
        grid=(LBL // RL,),
        in_specs=[pl.BlockSpec((RL, W), lambda i: (i, 0)),
                  pl.BlockSpec((RL, W), lambda i: (i, 0))],
        out_specs=pl.BlockSpec((RL, 1), lambda i: (i, 0)),
        out_shape=jax.ShapeDtypeStruct((LBL, 1), jnp.float32),
    )(ug, mg)


R = 1000
G = N // R

_mm = functools.partial(jnp.dot, precision="highest",
                        preferred_element_type=jnp.float32)


def _with_cols(main, extra_col=None):
    cols = [main]
    used = H
    if extra_col is not None:
        cols.append(extra_col)
        used += 1
    cols.append(jnp.zeros((main.shape[0], W - used), jnp.float32))
    return jnp.concatenate(cols, axis=1)


def _quant(rows_f32):
    return jnp.clip(jnp.round(rows_f32 * SCALE), -32768.0,
                    32767.0).astype(jnp.int16)


def _tc1_body(xu_r, xm_r, wlu_r, wru_r, wlm_r, wrm_r,
              tlu_r, yru_r, tlm_r, yrm_r):
    xu = xu_r[...]
    xm = xm_r[...]
    one = jnp.ones((R, 1), jnp.float32)
    tlu_r[...] = _with_cols(_mm(xu, wlu_r[...]), one)
    yru_r[...] = _mm(xu, wru_r[...])
    tlm_r[...] = _with_cols(_mm(xm, wlm_r[...]), one)
    yrm_r[...] = _mm(xm, wrm_r[...])


def _tc1(xu, xm, wl1_um, wr1_mu, wl1_mu, wr1_um):
    fs = jnp.float32
    return pl.pallas_call(
        _tc1_body,
        grid=(G,),
        in_specs=[
            pl.BlockSpec((R, D), lambda i: (i, 0)),
            pl.BlockSpec((R, D), lambda i: (i, 0)),
            pl.BlockSpec((D, H), lambda i: (0, 0)),
            pl.BlockSpec((D, H), lambda i: (0, 0)),
            pl.BlockSpec((D, H), lambda i: (0, 0)),
            pl.BlockSpec((D, H), lambda i: (0, 0)),
        ],
        out_specs=[
            pl.BlockSpec((R, W), lambda i: (i, 0)),
            pl.BlockSpec((R, H), lambda i: (i, 0)),
            pl.BlockSpec((R, W), lambda i: (i, 0)),
            pl.BlockSpec((R, H), lambda i: (i, 0)),
        ],
        out_shape=[
            jax.ShapeDtypeStruct((N, W), fs),
            jax.ShapeDtypeStruct((N, H), fs),
            jax.ShapeDtypeStruct((N, W), fs),
            jax.ShapeDtypeStruct((N, H), fs),
        ],
    )(xu, xm, wl1_um, wr1_mu, wl1_mu, wr1_um)


def _tc2_body(am_r, au_r, yrm_r, yru_r, b1um_r, b1mu_r,
              wl2um_r, wr2um_r, wl2mu_r, wr2mu_r, b2um_r, b2mu_r,
              tl2u_r, tl2m_r, zmx_r, zux_r):
    am = am_r[...]
    au = au_r[...]
    sm = am[0] + am[1]
    su = au[0] + au[1]
    icm = 1.0 / jnp.maximum(sm[:, H:H + 1], 1.0)
    icu = 1.0 / jnp.maximum(su[:, H:H + 1], 1.0)
    hm = jnp.maximum(sm[:, :H] * icm + yrm_r[...] + b1um_r[...], 0.0)
    hu = jnp.maximum(su[:, :H] * icu + yru_r[...] + b1mu_r[...], 0.0)
    tl2u_r[...] = _with_cols(_mm(hu, wl2um_r[...]))
    tl2m_r[...] = _with_cols(_mm(hm, wl2mu_r[...]))
    zmx_r[...] = _with_cols(_mm(hm, wr2um_r[...]) + b2um_r[...], icm)
    zux_r[...] = _with_cols(_mm(hu, wr2mu_r[...]) + b2mu_r[...], icu)


def _tc2(acc_m, acc_u, yrm, yru, b1um, b1mu,
         wl2um, wr2um, wl2mu, wr2mu, b2um, b2mu):
    fs = jnp.float32
    part = pl.BlockSpec((NC, R, W), lambda i: (0, i, 0))
    row = pl.BlockSpec((R, H), lambda i: (i, 0))
    roww = pl.BlockSpec((R, W), lambda i: (i, 0))
    w = pl.BlockSpec((H, H), lambda i: (0, 0))
    b = pl.BlockSpec((1, H), lambda i: (0, 0))
    return pl.pallas_call(
        _tc2_body,
        grid=(G,),
        in_specs=[part, part, row, row, b, b, w, w, w, w, b, b],
        out_specs=[roww] * 4,
        out_shape=[jax.ShapeDtypeStruct((N, W), fs)] * 4,
    )(acc_m, acc_u, yrm, yru, b1um, b1mu,
      wl2um, wr2um, wl2mu, wr2mu, b2um, b2mu)


def _tc3_body(am_r, au_r, zmx_r, zux_r, hm2_r, hu2_r):
    am = am_r[...]
    au = au_r[...]
    sm = am[0] + am[1]
    su = au[0] + au[1]
    zmx = zmx_r[...]
    zux = zux_r[...]
    hm2 = sm[:, :H] * zmx[:, H:H + 1] + zmx[:, :H]
    hu2 = su[:, :H] * zux[:, H:H + 1] + zux[:, :H]
    hm2_r[...] = _with_cols(hm2)
    hu2_r[...] = _with_cols(hu2)


def _tc3(acc2_m, acc2_u, zmx, zux):
    fs = jnp.float32
    part = pl.BlockSpec((NC, R, W), lambda i: (0, i, 0))
    roww = pl.BlockSpec((R, W), lambda i: (i, 0))
    return pl.pallas_call(
        _tc3_body,
        grid=(G,),
        in_specs=[part, part, roww, roww],
        out_specs=[roww] * 2,
        out_shape=[jax.ShapeDtypeStruct((N, W), fs)] * 2,
    )(acc2_m, acc2_u, zmx, zux)


def kernel(x_user, x_movie, edge_index_um, edge_index_mu, edge_label_index,
           Wl1_um, Wr1_um, b1_um, Wl1_mu, Wr1_mu, b1_mu,
           Wl2_um, Wr2_um, b2_um, Wl2_mu, Wr2_mu, b2_mu):
    src_um = edge_index_um[0]
    dst_um = edge_index_um[1].reshape(NW, NCHUNK, K)
    src_mu = edge_index_mu[0]
    dst_mu = edge_index_mu[1].reshape(NW, NCHUNK, K)
    e_u, e_m = edge_label_index[0], edge_label_index[1]

    zrow = jnp.zeros((NPAD, W), jnp.float32)

    b1um = b1_um.reshape(1, H)
    b1mu = b1_mu.reshape(1, H)
    b2um = b2_um.reshape(1, H)
    b2mu = b2_mu.reshape(1, H)

    tlu, yru, tlm, yrm = _tc1(x_user, x_movie, Wl1_um, Wr1_mu, Wl1_mu,
                              Wr1_um)

    seg = _make_segsum()
    acc_m, acc_u = seg(tlu, src_um, dst_um, tlm, src_mu, dst_mu, zrow)

    tl2u, tl2m, zmx, zux = _tc2(acc_m, acc_u, yrm, yru, b1um, b1mu,
                                Wl2_um, Wr2_um, Wl2_mu, Wr2_mu, b2um, b2mu)

    seg2 = _make_segsum()
    acc2_m, acc2_u = seg2(tl2u, src_um, dst_um, tl2m, src_mu, dst_mu, zrow)

    hm2, hu2 = _tc3(acc2_m, acc2_u, zmx, zux)

    dec = _make_decoder()
    ug, mg = dec(hu2, hm2, e_u, e_m)
    return _tcdot(ug, mg).reshape(LBL)

# --- scband reference (transcript-rebuilt; emitter-appended) ---
"""Pipeline reference for scband-gnn-88682484727898 (READ-ONLY COPY).

The authoritative reference and input builder live on the scoring server;
editing this copy changes nothing except your own understanding.
"""

import jax, jax.numpy as jnp
import numpy as np

N_USER = 10000
N_MOVIE = 10000
E = 320000
D = 128
H = 64
L = 100000


def _sage(x_src, x_dst, src, dst, Wl, Wr, b):
    # PyG SAGEConv: mean-aggregate source features at destination, then
    # out = lin_l(mean_agg) + lin_r(x_dst) + bias
    msgs = x_src[src]
    agg = jax.ops.segment_sum(msgs, dst, num_segments=x_dst.shape[0])
    cnt = jax.ops.segment_sum(jnp.ones((src.shape[0],), dtype=x_src.dtype), dst,
                              num_segments=x_dst.shape[0])
    mean = agg / jnp.clip(cnt, 1.0)[:, None]
    return mean @ Wl + x_dst @ Wr + b


def setup_inputs(seed: int = 0):
    key = jax.random.key(seed)
    ks = jax.random.split(key, 24)
    inp = {}
    inp['x_user'] = jax.random.normal(ks[0], (N_USER, D), dtype=jnp.float32)
    inp['x_movie'] = jax.random.normal(ks[1], (N_MOVIE, D), dtype=jnp.float32)
    inp['edge_index_um'] = jnp.stack([
        jax.random.randint(ks[2], (E,), 0, N_USER),
        jax.random.randint(ks[3], (E,), 0, N_MOVIE)])
    inp['edge_index_mu'] = jnp.stack([
        jax.random.randint(ks[4], (E,), 0, N_MOVIE),
        jax.random.randint(ks[5], (E,), 0, N_USER)])
    inp['edge_label_index'] = jnp.stack([
        jax.random.randint(ks[6], (L,), 0, N_USER),
        jax.random.randint(ks[7], (L,), 0, N_MOVIE)])
    s1 = 1.0 / np.sqrt(D)
    s2 = 1.0 / np.sqrt(H)
    # layer 1 (input dim D -> H), one SAGEConv per edge type (to_hetero)
    inp['Wl1_um'] = jax.random.normal(ks[8], (D, H), dtype=jnp.float32) * s1
    inp['Wr1_um'] = jax.random.normal(ks[9], (D, H), dtype=jnp.float32) * s1
    inp['b1_um'] = jnp.zeros((H,), dtype=jnp.float32)
    inp['Wl1_mu'] = jax.random.normal(ks[10], (D, H), dtype=jnp.float32) * s1
    inp['Wr1_mu'] = jax.random.normal(ks[11], (D, H), dtype=jnp.float32) * s1
    inp['b1_mu'] = jnp.zeros((H,), dtype=jnp.float32)
    # layer 2 (H -> H)
    inp['Wl2_um'] = jax.random.normal(ks[12], (H, H), dtype=jnp.float32) * s2
    inp['Wr2_um'] = jax.random.normal(ks[13], (H, H), dtype=jnp.float32) * s2
    inp['b2_um'] = jnp.zeros((H,), dtype=jnp.float32)
    inp['Wl2_mu'] = jax.random.normal(ks[14], (H, H), dtype=jnp.float32) * s2
    inp['Wr2_mu'] = jax.random.normal(ks[15], (H, H), dtype=jnp.float32) * s2
    inp['b2_mu'] = jnp.zeros((H,), dtype=jnp.float32)
    return inp


def reference(x_user, x_movie, edge_index_um, edge_index_mu, edge_label_index,
              Wl1_um, Wr1_um, b1_um, Wl1_mu, Wr1_mu, b1_mu,
              Wl2_um, Wr2_um, b2_um, Wl2_mu, Wr2_mu, b2_mu):
    src_um, dst_um = edge_index_um[0], edge_index_um[1]
    src_mu, dst_mu = edge_index_mu[0], edge_index_mu[1]
    # encoder layer 1 (hetero SAGE, aggr='sum' across edge types; each node
    # type here is the destination of exactly one edge type)
    h_movie = jax.nn.relu(_sage(x_user, x_movie, src_um, dst_um, Wl1_um, Wr1_um, b1_um))
    h_user = jax.nn.relu(_sage(x_movie, x_user, src_mu, dst_mu, Wl1_mu, Wr1_mu, b1_mu))
    # encoder layer 2 (no activation after conv2 in GNNSAGE)
    h_movie2 = _sage(h_user, h_movie, src_um, dst_um, Wl2_um, Wr2_um, b2_um)
    h_user2 = _sage(h_movie, h_user, src_mu, dst_mu, Wl2_mu, Wr2_mu, b2_mu)
    # IP decoder
    u = h_user2[edge_label_index[0]]
    m = h_movie2[edge_label_index[1]]
    return (u * m).sum(axis=-1)

if __name__ == "__main__":
    import jax
    _d = setup_inputs()
    print(jax.jit(kernel)(*tuple(_d.values())))

</pallas_src>

<mosaic_0001>
#map = affine_map<(d0, d1) -> (0, 0)>
#map1 = affine_map<(d0, d1) -> (0)>
module attributes {stable_mosaic.version = 14 : i64} {
  func.func @body(%arg0: i32, %arg1: i32, %arg2: memref<10000x80xf32, #tpu.memory_space<hbm>>, %arg3: memref<10000x80xf32, #tpu.memory_space<hbm>>, %arg4: memref<100000xi32, #tpu.memory_space<hbm>>, %arg5: memref<100000xi32, #tpu.memory_space<hbm>>, %arg6: memref<100000x80xf32, #tpu.memory_space<hbm>>, %arg7: memref<100000x80xf32, #tpu.memory_space<hbm>>, %arg8: memref<400xi32, #tpu.memory_space<vmem>>, %arg9: memref<400xi32, #tpu.memory_space<vmem>>, %arg10: memref<400x80xf32, #tpu.memory_space<vmem>>, %arg11: memref<400x80xf32, #tpu.memory_space<vmem>>, %arg12: memref<!tpu.dma_semaphore, #tpu.memory_space<semaphore_mem>>) attributes {dimension_semantics = [#tpu.dimension_semantics<core_parallel>, #tpu.dimension_semantics<subcore_parallel>], iteration_bounds = array<i64: 2, 16>, scalar_prefetch = 0 : i64, scratch_operands = 5 : i64, tpu.core_type = #tpu.core_type<sc_vector_subcore>, window_params = [{transform_indices = #map}, {transform_indices = #map}, {transform_indices = #map1}, {transform_indices = #map1}, {transform_indices = #map}, {transform_indices = #map}]} {
    %mul3A = arith.constant 2 : i32
    %mul3A_0 = arith.muli %arg1, %mul3A : i32
    %add3A = arith.addi %mul3A_0, %arg0 : i32
    %scan3A = arith.constant 0 : i32
    %scan3A_1 = arith.constant 0 : i32
    %scan3A_2 = arith.constant 8 : i32
    %scan3A_3 = arith.addi %scan3A_1, %scan3A_2 : i32
    %scan3A_4 = arith.constant 1 : i32
    scf.for %scan3A_6 = %scan3A_1 to %scan3A_3 step %scan3A_4  : i32 {
      %mul3A_7 = arith.constant 32 : i32
      %mul3A_8 = arith.muli %scan3A_6, %mul3A_7 : i32
      %add3A_9 = arith.addi %mul3A_8, %add3A : i32
      %lt3A = arith.constant 250 : i32
      %lt3A_10 = arith.cmpi slt, %add3A_9, %lt3A : i32
      %convert_element_type3A = arith.extui %lt3A_10 : i1 to i32
      %cond3A = arith.constant 0 : i32
      %cond3A_11 = arith.cmpi ne, %convert_element_type3A, %cond3A : i32
      scf.if %cond3A_11 {
        %mul3A_12 = arith.constant 400 : i32
        %mul3A_13 = arith.muli %add3A_9, %mul3A_12 : i32
        %multiple_of3A = tpu.assume_multiple %mul3A_13, 8 : i32
        "tpu.region"() ({
          %run_scoped3A = tpu.sem_alloc : memref<!tpu.dma_semaphore, #tpu.memory_space<semaphore_mem>>
          %dma_start3A_24 = tpu.memref_slice %arg4[%multiple_of3A] : memref<100000xi32, #tpu.memory_space<hbm>> -> memref<400xi32, #tpu.memory_space<hbm>>
          %dma_start3A_25 = tpu.memref_slice %arg4[%multiple_of3A] : memref<100000xi32, #tpu.memory_space<hbm>> -> memref<400xi32, #tpu.memory_space<hbm>>
          tpu.enqueue_dma source(%dma_start3A_25 : memref<400xi32, #tpu.memory_space<hbm>>) target(%arg8 : memref<400xi32, #tpu.memory_space<vmem>>) target_semaphore(%run_scoped3A : memref<!tpu.dma_semaphore, #tpu.memory_space<semaphore_mem>>)
          %dma_wait3A_26 = tpu.memref_slice %arg4[%multiple_of3A] : memref<100000xi32, #tpu.memory_space<hbm>> -> memref<400xi32, #tpu.memory_space<hbm>>
          %dma_wait3A_27 = tpu.memref_slice %arg4[%multiple_of3A] : memref<100000xi32, #tpu.memory_space<hbm>> -> memref<400xi32, #tpu.memory_space<hbm>>
          tpu.wait_dma2 semaphore(%run_scoped3A : memref<!tpu.dma_semaphore, #tpu.memory_space<semaphore_mem>>) src(%dma_wait3A_27 : memref<400xi32, #tpu.memory_space<hbm>>) dst(%arg8 : memref<400xi32, #tpu.memory_space<vmem>>)
          tpu.yield
        }) : () -> ()
        "tpu.region"() ({
          %run_scoped3A = tpu.sem_alloc : memref<!tpu.dma_semaphore, #tpu.memory_space<semaphore_mem>>
          %dma_start3A_24 = tpu.memref_slice %arg5[%multiple_of3A] : memref<100000xi32, #tpu.memory_space<hbm>> -> memref<400xi32, #tpu.memory_space<hbm>>
          %dma_start3A_25 = tpu.memref_slice %arg5[%multiple_of3A] : memref<100000xi32, #tpu.memory_space<hbm>> -> memref<400xi32, #tpu.memory_space<hbm>>
          tpu.enqueue_dma source(%dma_start3A_25 : memref<400xi32, #tpu.memory_space<hbm>>) target(%arg9 : memref<400xi32, #tpu.memory_space<vmem>>) target_semaphore(%run_scoped3A : memref<!tpu.dma_semaphore, #tpu.memory_space<semaphore_mem>>)
          %dma_wait3A_26 = tpu.memref_slice %arg5[%multiple_of3A] : memref<100000xi32, #tpu.memory_space<hbm>> -> memref<400xi32, #tpu.memory_space<hbm>>
          %dma_wait3A_27 = tpu.memref_slice %arg5[%multiple_of3A] : memref<100000xi32, #tpu.memory_space<hbm>> -> memref<400xi32, #tpu.memory_space<hbm>>
          tpu.wait_dma2 semaphore(%run_scoped3A : memref<!tpu.dma_semaphore, #tpu.memory_space<semaphore_mem>>) src(%dma_wait3A_27 : memref<400xi32, #tpu.memory_space<hbm>>) dst(%arg9 : memref<400xi32, #tpu.memory_space<vmem>>)
          tpu.yield
        }) : () -> ()
        %dma_start3A = arith.constant 0 : i32
        %dma_start3A_14 = arith.constant 0 : i32
        %dma_start3A_15 = tpu.memref_slice %arg2[%dma_start3A, %dma_start3A_14] : memref<10000x80xf32, #tpu.memory_space<hbm>> -> memref<10000x80xf32, #tpu.memory_space<hbm>>
        tpu.enqueue_indirect_dma source(%dma_start3A_15 : memref<10000x80xf32, #tpu.memory_space<hbm>>) target(%arg10 : memref<400x80xf32, #tpu.memory_space<vmem>>) offsets(%arg8 : memref<400xi32, #tpu.memory_space<vmem>>) semaphore(%arg12 : memref<!tpu.dma_semaphore, #tpu.memory_space<semaphore_mem>>)
        %dma_wait3A = arith.constant 0 : i32
        %dma_wait3A_16 = arith.constant 0 : i32
        %dma_wait3A_17 = tpu.memref_slice %arg2[%dma_wait3A, %dma_wait3A_16] : memref<10000x80xf32, #tpu.memory_space<hbm>> -> memref<10000x80xf32, #tpu.memory_space<hbm>>
        tpu.wait_indirect_dma semaphore(%arg12 : memref<!tpu.dma_semaphore, #tpu.memory_space<semaphore_mem>>) src(%dma_wait3A_17 : memref<10000x80xf32, #tpu.memory_space<hbm>>) dst(%arg10 : memref<400x80xf32, #tpu.memory_space<vmem>>)
        %dma_start3A_18 = arith.constant 0 : i32
        %dma_start3A_19 = arith.constant 0 : i32
        %dma_start3A_20 = tpu.memref_slice %arg3[%dma_start3A_18, %dma_start3A_19] : memref<10000x80xf32, #tpu.memory_space<hbm>> -> memref<10000x80xf32, #tpu.memory_space<hbm>>
        tpu.enqueue_indirect_dma source(%dma_start3A_20 : memref<10000x80xf32, #tpu.memory_space<hbm>>) target(%arg11 : memref<400x80xf32, #tpu.memory_space<vmem>>) offsets(%arg9 : memref<400xi32, #tpu.memory_space<vmem>>) semaphore(%arg12 : memref<!tpu.dma_semaphore, #tpu.memory_space<semaphore_mem>>)
        %dma_wait3A_21 = arith.constant 0 : i32
        %dma_wait3A_22 = arith.constant 0 : i32
        %dma_wait3A_23 = tpu.memref_slice %arg3[%dma_wait3A_21, %dma_wait3A_22] : memref<10000x80xf32, #tpu.memory_space<hbm>> -> memref<10000x80xf32, #tpu.memory_space<hbm>>
        tpu.wait_indirect_dma semaphore(%arg12 : memref<!tpu.dma_semaphore, #tpu.memory_space<semaphore_mem>>) src(%dma_wait3A_23 : memref<10000x80xf32, #tpu.memory_space<hbm>>) dst(%arg11 : memref<400x80xf32, #tpu.memory_space<vmem>>)
        "tpu.region"() ({
          %run_scoped3A = tpu.sem_alloc : memref<!tpu.dma_semaphore, #tpu.memory_space<semaphore_mem>>
          %dma_start3A_24 = arith.constant 0 : i32
          %dma_start3A_25 = tpu.memref_slice %arg6[%multiple_of3A, %dma_start3A_24] : memref<100000x80xf32, #tpu.memory_space<hbm>> -> memref<400x80xf32, #tpu.memory_space<hbm>>
          %dma_start3A_26 = arith.constant 0 : i32
          %dma_start3A_27 = tpu.memref_slice %arg6[%multiple_of3A, %dma_start3A_26] : memref<100000x80xf32, #tpu.memory_space<hbm>> -> memref<400x80xf32, #tpu.memory_space<hbm>>
          tpu.enqueue_dma source(%arg10 : memref<400x80xf32, #tpu.memory_space<vmem>>) target(%dma_start3A_27 : memref<400x80xf32, #tpu.memory_space<hbm>>) target_semaphore(%run_scoped3A : memref<!tpu.dma_semaphore, #tpu.memory_space<semaphore_mem>>)
          %dma_wait3A_28 = arith.constant 0 : i32
          %dma_wait3A_29 = tpu.memref_slice %arg6[%multiple_of3A, %dma_wait3A_28] : memref<100000x80xf32, #tpu.memory_space<hbm>> -> memref<400x80xf32, #tpu.memory_space<hbm>>
          %dma_wait3A_30 = arith.constant 0 : i32
          %dma_wait3A_31 = tpu.memref_slice %arg6[%multiple_of3A, %dma_wait3A_30] : memref<100000x80xf32, #tpu.memory_space<hbm>> -> memref<400x80xf32, #tpu.memory_space<hbm>>
          tpu.wait_dma2 semaphore(%run_scoped3A : memref<!tpu.dma_semaphore, #tpu.memory_space<semaphore_mem>>) src(%arg10 : memref<400x80xf32, #tpu.memory_space<vmem>>) dst(%dma_wait3A_31 : memref<400x80xf32, #tpu.memory_space<hbm>>)
          tpu.yield
        }) : () -> ()
        "tpu.region"() ({
          %run_scoped3A = tpu.sem_alloc : memref<!tpu.dma_semaphore, #tpu.memory_space<semaphore_mem>>
          %dma_start3A_24 = arith.constant 0 : i32
          %dma_start3A_25 = tpu.memref_slice %arg7[%multiple_of3A, %dma_start3A_24] : memref<100000x80xf32, #tpu.memory_space<hbm>> -> memref<400x80xf32, #tpu.memory_space<hbm>>
          %dma_start3A_26 = arith.constant 0 : i32
          %dma_start3A_27 = tpu.memref_slice %arg7[%multiple_of3A, %dma_start3A_26] : memref<100000x80xf32, #tpu.memory_space<hbm>> -> memref<400x80xf32, #tpu.memory_space<hbm>>
          tpu.enqueue_dma source(%arg11 : memref<400x80xf32, #tpu.memory_space<vmem>>) target(%dma_start3A_27 : memref<400x80xf32, #tpu.memory_space<hbm>>) target_semaphore(%run_scoped3A : memref<!tpu.dma_semaphore, #tpu.memory_space<semaphore_mem>>)
          %dma_wait3A_28 = arith.constant 0 : i32
          %dma_wait3A_29 = tpu.memref_slice %arg7[%multiple_of3A, %dma_wait3A_28] : memref<100000x80xf32, #tpu.memory_space<hbm>> -> memref<400x80xf32, #tpu.memory_space<hbm>>
          %dma_wait3A_30 = arith.constant 0 : i32
          %dma_wait3A_31 = tpu.memref_slice %arg7[%multiple_of3A, %dma_wait3A_30] : memref<100000x80xf32, #tpu.memory_space<hbm>> -> memref<400x80xf32, #tpu.memory_space<hbm>>
          tpu.wait_dma2 semaphore(%run_scoped3A : memref<!tpu.dma_semaphore, #tpu.memory_space<semaphore_mem>>) src(%arg11 : memref<400x80xf32, #tpu.memory_space<vmem>>) dst(%dma_wait3A_31 : memref<400x80xf32, #tpu.memory_space<hbm>>)
          tpu.yield
        }) : () -> ()
      } else {
      }
    }
    %scan3A_5 = arith.constant 8 : i32
    return
  }
}

#map = affine_map<(d0, d1) -> (0, 0)>
#map1 = affine_map<(d0, d1) -> (0)>
#map2 = affine_map<(d0, d1) -> (0, 0, 0)>
module attributes {stable_mosaic.version = 14 : i64} {
  func.func @body(%arg0: i32, %arg1: i32, %arg2: memref<10000x80xf32, #tpu.memory_space<hbm>>, %arg3: memref<320000xi32, #tpu.memory_space<hbm>>, %arg4: memref<32x25x400xi32, #tpu.memory_space<hbm>>, %arg5: memref<10000x80xf32, #tpu.memory_space<hbm>>, %arg6: memref<320000xi32, #tpu.memory_space<hbm>>, %arg7: memref<32x25x400xi32, #tpu.memory_space<hbm>>, %arg8: memref<10240x80xf32, #tpu.memory_space<hbm>>, %arg9: memref<2x10240x80xf32, #tpu.memory_space<hbm>>, %arg10: memref<2x10240x80xf32, #tpu.memory_space<hbm>>, %arg11: memref<10000xi32, #tpu.memory_space<vmem>>, %arg12: memref<25x400xi32, #tpu.memory_space<vmem>>, %arg13: memref<400x80xf32, #tpu.memory_space<vmem>>, %arg14: memref<10240x80xf32, #tpu.memory_space<vmem_shared>>, %arg15: memref<!tpu.dma_semaphore, #tpu.memory_space<semaphore_mem>>) attributes {dimension_semantics = [#tpu.dimension_semantics<core_parallel>, #tpu.dimension_semantics<subcore_parallel>], iteration_bounds = array<i64: 2, 16>, scalar_prefetch = 0 : i64, scratch_operands = 5 : i64, tpu.core_type = #tpu.core_type<sc_vector_subcore>, window_params = [{transform_indices = #map}, {transform_indices = #map1}, {transform_indices = #map2}, {transform_indices = #map}, {transform_indices = #map1}, {transform_indices = #map2}, {transform_indices = #map}, {transform_indices = #map2}, {transform_indices = #map2}]} {
    %mul3A = arith.constant 2 : i32
    %mul3A_0 = arith.muli %arg1, %mul3A : i32
    %add3A = arith.addi %mul3A_0, %arg0 : i32
    %mul3A_1 = arith.constant 640 : i32
    %mul3A_2 = arith.muli %arg1, %mul3A_1 : i32
    %multiple_of3A = tpu.assume_multiple %mul3A_2, 8 : i32
    %mul3A_3 = arith.constant 10000 : i32
    %mul3A_4 = arith.muli %add3A, %mul3A_3 : i32
    %multiple_of3A_5 = tpu.assume_multiple %mul3A_4, 8 : i32
    "tpu.region"() ({
      %run_scoped3A = tpu.sem_alloc : memref<!tpu.dma_semaphore, #tpu.memory_space<semaphore_mem>>
      %dma_start3A = tpu.memref_slice %arg3[%multiple_of3A_5] : memref<320000xi32, #tpu.memory_space<hbm>> -> memref<10000xi32, #tpu.memory_space<hbm>>
      %dma_start3A_25 = tpu.memref_slice %arg3[%multiple_of3A_5] : memref<320000xi32, #tpu.memory_space<hbm>> -> memref<10000xi32, #tpu.memory_space<hbm>>
      tpu.enqueue_dma source(%dma_start3A_25 : memref<10000xi32, #tpu.memory_space<hbm>>) target(%arg11 : memref<10000xi32, #tpu.memory_space<vmem>>) target_semaphore(%run_scoped3A : memref<!tpu.dma_semaphore, #tpu.memory_space<semaphore_mem>>)
      %dma_wait3A = tpu.memref_slice %arg3[%multiple_of3A_5] : memref<320000xi32, #tpu.memory_space<hbm>> -> memref<10000xi32, #tpu.memory_space<hbm>>
      %dma_wait3A_26 = tpu.memref_slice %arg3[%multiple_of3A_5] : memref<320000xi32, #tpu.memory_space<hbm>> -> memref<10000xi32, #tpu.memory_space<hbm>>
      tpu.wait_dma2 semaphore(%run_scoped3A : memref<!tpu.dma_semaphore, #tpu.memory_space<semaphore_mem>>) src(%dma_wait3A_26 : memref<10000xi32, #tpu.memory_space<hbm>>) dst(%arg11 : memref<10000xi32, #tpu.memory_space<vmem>>)
      tpu.yield
    }) : () -> ()
    "tpu.region"() ({
      %run_scoped3A = tpu.sem_alloc : memref<!tpu.dma_semaphore, #tpu.memory_space<semaphore_mem>>
      %dma_start3A = arith.constant 0 : i32
      %dma_start3A_25 = arith.constant 0 : i32
      %dma_start3A_26 = tpu.memref_slice %arg4[%add3A, %dma_start3A, %dma_start3A_25] : memref<32x25x400xi32, #tpu.memory_space<hbm>> -> memref<1x25x400xi32, #tpu.memory_space<hbm>>
      %dma_start3A_27 = tpu.memref_squeeze %dma_start3A_26 : memref<1x25x400xi32, #tpu.memory_space<hbm>> -> memref<25x400xi32, #tpu.memory_space<hbm>>
      %dma_start3A_28 = arith.constant 0 : i32
      %dma_start3A_29 = arith.constant 0 : i32
      %dma_start3A_30 = tpu.memref_slice %arg4[%add3A, %dma_start3A_28, %dma_start3A_29] : memref<32x25x400xi32, #tpu.memory_space<hbm>> -> memref<1x25x400xi32, #tpu.memory_space<hbm>>
      %dma_start3A_31 = tpu.memref_squeeze %dma_start3A_30 : memref<1x25x400xi32, #tpu.memory_space<hbm>> -> memref<25x400xi32, #tpu.memory_space<hbm>>
      tpu.enqueue_dma source(%dma_start3A_31 : memref<25x400xi32, #tpu.memory_space<hbm>>) target(%arg12 : memref<25x400xi32, #tpu.memory_space<vmem>>) target_semaphore(%run_scoped3A : memref<!tpu.dma_semaphore, #tpu.memory_space<semaphore_mem>>)
      %dma_wait3A = arith.constant 0 : i32
      %dma_wait3A_32 = arith.constant 0 : i32
      %dma_wait3A_33 = tpu.memref_slice %arg4[%add3A, %dma_wait3A, %dma_wait3A_32] : memref<32x25x400xi32, #tpu.memory_space<hbm>> -> memref<1x25x400xi32, #tpu.memory_space<hbm>>
      %dma_wait3A_34 = tpu.memref_squeeze %dma_wait3A_33 : memref<1x25x400xi32, #tpu.memory_space<hbm>> -> memref<25x400xi32, #tpu.memory_space<hbm>>
      %dma_wait3A_35 = arith.constant 0 : i32
      %dma_wait3A_36 = arith.constant 0 : i32
      %dma_wait3A_37 = tpu.memref_slice %arg4[%add3A, %dma_wait3A_35, %dma_wait3A_36] : memref<32x25x400xi32, #tpu.memory_space<hbm>> -> memref<1x25x400xi32, #tpu.memory_space<hbm>>
      %dma_wait3A_38 = tpu.memref_squeeze %dma_wait3A_37 : memref<1x25x400xi32, #tpu.memory_space<hbm>> -> memref<25x400xi32, #tpu.memory_space<hbm>>
      tpu.wait_dma2 semaphore(%run_scoped3A : memref<!tpu.dma_semaphore, #tpu.memory_space<semaphore_mem>>) src(%dma_wait3A_38 : memref<25x400xi32, #tpu.memory_space<hbm>>) dst(%arg12 : memref<25x400xi32, #tpu.memory_space<vmem>>)
      tpu.yield
    }) : () -> ()
    "tpu.region"() ({
      %run_scoped3A = tpu.sem_alloc : memref<!tpu.dma_semaphore, #tpu.memory_space<semaphore_mem>>
      %dma_start3A = arith.constant 0 : i32
      %dma_start3A_25 = tpu.memref_slice %arg14[%multiple_of3A, %dma_start3A] : memref<10240x80xf32, #tpu.memory_space<vmem_shared>> -> memref<640x80xf32, #tpu.memory_space<vmem_shared>>
      %dma_start3A_26 = arith.constant 0 : i32
      %dma_start3A_27 = tpu.memref_slice %arg8[%multiple_of3A, %dma_start3A_26] : memref<10240x80xf32, #tpu.memory_space<hbm>> -> memref<640x80xf32, #tpu.memory_space<hbm>>
      tpu.enqueue_dma source(%dma_start3A_27 : memref<640x80xf32, #tpu.memory_space<hbm>>) target(%dma_start3A_25 : memref<640x80xf32, #tpu.memory_space<vmem_shared>>) target_semaphore(%run_scoped3A : memref<!tpu.dma_semaphore, #tpu.memory_space<semaphore_mem>>)
      %dma_wait3A = arith.constant 0 : i32
      %dma_wait3A_28 = tpu.memref_slice %arg14[%multiple_of3A, %dma_wait3A] : memref<10240x80xf32, #tpu.memory_space<vmem_shared>> -> memref<640x80xf32, #tpu.memory_space<vmem_shared>>
      %dma_wait3A_29 = arith.constant 0 : i32
      %dma_wait3A_30 = tpu.memref_slice %arg8[%multiple_of3A, %dma_wait3A_29] : memref<10240x80xf32, #tpu.memory_space<hbm>> -> memref<640x80xf32, #tpu.memory_space<hbm>>
      tpu.wait_dma2 semaphore(%run_scoped3A : memref<!tpu.dma_semaphore, #tpu.memory_space<semaphore_mem>>) src(%dma_wait3A_30 : memref<640x80xf32, #tpu.memory_space<hbm>>) dst(%dma_wait3A_28 : memref<640x80xf32, #tpu.memory_space<vmem_shared>>)
      tpu.yield
    }) : () -> ()
    %barrier3A = arith.constant 0 : index
    tpu.barrier barrier_id(%barrier3A)
    %scan3A = arith.constant 0 : i32
    %scan3A_6 = arith.constant 0 : i32
    %scan3A_7 = arith.constant 25 : i32
    %scan3A_8 = arith.addi %scan3A_6, %scan3A_7 : i32
    %scan3A_9 = arith.constant 1 : i32
    scf.for %scan3A_25 = %scan3A_6 to %scan3A_8 step %scan3A_9  : i32 {
      %mul3A_26 = arith.constant 400 : i32
      %mul3A_27 = arith.muli %scan3A_25, %mul3A_26 : i32
      %multiple_of3A_28 = tpu.assume_multiple %mul3A_27, 8 : i32
      %dma_start3A = tpu.memref_slice %arg11[%multiple_of3A_28] : memref<10000xi32, #tpu.memory_space<vmem>> -> memref<400xi32, #tpu.memory_space<vmem>>
      %dma_start3A_29 = arith.constant 0 : i32
      %dma_start3A_30 = arith.constant 0 : i32
      %dma_start3A_31 = tpu.memref_slice %arg2[%dma_start3A_29, %dma_start3A_30] : memref<10000x80xf32, #tpu.memory_space<hbm>> -> memref<10000x80xf32, #tpu.memory_space<hbm>>
      tpu.enqueue_indirect_dma source(%dma_start3A_31 : memref<10000x80xf32, #tpu.memory_space<hbm>>) target(%arg13 : memref<400x80xf32, #tpu.memory_space<vmem>>) offsets(%dma_start3A : memref<400xi32, #tpu.memory_space<vmem>>) semaphore(%arg15 : memref<!tpu.dma_semaphore, #tpu.memory_space<semaphore_mem>>)
      %dma_wait3A = tpu.memref_slice %arg11[%multiple_of3A_28] : memref<10000xi32, #tpu.memory_space<vmem>> -> memref<400xi32, #tpu.memory_space<vmem>>
      %dma_wait3A_32 = arith.constant 0 : i32
      %dma_wait3A_33 = arith.constant 0 : i32
      %dma_wait3A_34 = tpu.memref_slice %arg2[%dma_wait3A_32, %dma_wait3A_33] : memref<10000x80xf32, #tpu.memory_space<hbm>> -> memref<10000x80xf32, #tpu.memory_space<hbm>>
      tpu.wait_indirect_dma semaphore(%arg15 : memref<!tpu.dma_semaphore, #tpu.memory_space<semaphore_mem>>) src(%dma_wait3A_34 : memref<10000x80xf32, #tpu.memory_space<hbm>>) dst(%arg13 : memref<400x80xf32, #tpu.memory_space<vmem>>)
      "tpu.region"() ({
        %run_scoped3A = tpu.sem_alloc : memref<!tpu.dma_semaphore, #tpu.memory_space<semaphore_mem>>
        %dma_start3A_35 = arith.constant 0 : i32
        %dma_start3A_36 = tpu.memref_slice %arg12[%scan3A_25, %dma_start3A_35] : memref<25x400xi32, #tpu.memory_space<vmem>> -> memref<1x400xi32, #tpu.memory_space<vmem>>
        %dma_start3A_37 = tpu.memref_squeeze %dma_start3A_36 : memref<1x400xi32, #tpu.memory_space<vmem>> -> memref<400xi32, #tpu.memory_space<vmem>>
        %dma_start3A_38 = arith.constant 0 : i32
        %dma_start3A_39 = arith.constant 0 : i32
        %dma_start3A_40 = tpu.memref_slice %arg14[%dma_start3A_38, %dma_start3A_39] : memref<10240x80xf32, #tpu.memory_space<vmem_shared>> -> memref<10240x80xf32, #tpu.memory_space<vmem_shared>>
        tpu.enqueue_indirect_dma source(%arg13 : memref<400x80xf32, #tpu.memory_space<vmem>>) target(%dma_start3A_40 : memref<10240x80xf32, #tpu.memory_space<vmem_shared>>) offsets(%dma_start3A_37 : memref<400xi32, #tpu.memory_space<vmem>>) semaphore(%run_scoped3A : memref<!tpu.dma_semaphore, #tpu.memory_space<semaphore_mem>>) {add = true}
        %dma_wait3A_41 = arith.constant 0 : i32
        %dma_wait3A_42 = tpu.memref_slice %arg12[%scan3A_25, %dma_wait3A_41] : memref<25x400xi32, #tpu.memory_space<vmem>> -> memref<1x400xi32, #tpu.memory_space<vmem>>
        %dma_wait3A_43 = tpu.memref_squeeze %dma_wait3A_42 : memref<1x400xi32, #tpu.memory_space<vmem>> -> memref<400xi32, #tpu.memory_space<vmem>>
        %dma_wait3A_44 = arith.constant 0 : i32
        %dma_wait3A_45 = arith.constant 0 : i32
        %dma_wait3A_46 = tpu.memref_slice %arg14[%dma_wait3A_44, %dma_wait3A_45] : memref<10240x80xf32, #tpu.memory_space<vmem_shared>> -> memref<10240x80xf32, #tpu.memory_space<vmem_shared>>
        tpu.wait_indirect_dma semaphore(%run_scoped3A : memref<!tpu.dma_semaphore, #tpu.memory_space<semaphore_mem>>) src(%arg13 : memref<400x80xf32, #tpu.memory_space<vmem>>) dst(%dma_wait3A_46 : memref<10240x80xf32, #tpu.memory_space<vmem_shared>>)
        tpu.yield
      }) : () -> ()
    }
    %scan3A_10 = arith.constant 25 : i32
    %barrier3A_11 = arith.constant 0 : index
    tpu.barrier barrier_id(%barrier3A_11)
    "tpu.region"() ({
      %run_scoped3A = tpu.sem_alloc : memref<!tpu.dma_semaphore, #tpu.memory_space<semaphore_mem>>
      %dma_start3A = arith.constant 0 : i32
      %dma_start3A_25 = tpu.memref_slice %arg9[%arg0, %multiple_of3A, %dma_start3A] : memref<2x10240x80xf32, #tpu.memory_space<hbm>> -> memref<1x640x80xf32, #tpu.memory_space<hbm>>
      %dma_start3A_26 = tpu.memref_squeeze %dma_start3A_25 : memref<1x640x80xf32, #tpu.memory_space<hbm>> -> memref<640x80xf32, #tpu.memory_space<hbm>>
      %dma_start3A_27 = arith.constant 0 : i32
      %dma_start3A_28 = tpu.memref_slice %arg14[%multiple_of3A, %dma_start3A_27] : memref<10240x80xf32, #tpu.memory_space<vmem_shared>> -> memref<640x80xf32, #tpu.memory_space<vmem_shared>>
      tpu.enqueue_dma source(%dma_start3A_28 : memref<640x80xf32, #tpu.memory_space<vmem_shared>>) target(%dma_start3A_26 : memref<640x80xf32, #tpu.memory_space<hbm>>) target_semaphore(%run_scoped3A : memref<!tpu.dma_semaphore, #tpu.memory_space<semaphore_mem>>)
      %dma_wait3A = arith.constant 0 : i32
      %dma_wait3A_29 = tpu.memref_slice %arg9[%arg0, %multiple_of3A, %dma_wait3A] : memref<2x10240x80xf32, #tpu.memory_space<hbm>> -> memref<1x640x80xf32, #tpu.memory_space<hbm>>
      %dma_wait3A_30 = tpu.memref_squeeze %dma_wait3A_29 : memref<1x640x80xf32, #tpu.memory_space<hbm>> -> memref<640x80xf32, #tpu.memory_space<hbm>>
      %dma_wait3A_31 = arith.constant 0 : i32
      %dma_wait3A_32 = tpu.memref_slice %arg14[%multiple_of3A, %dma_wait3A_31] : memref<10240x80xf32, #tpu.memory_space<vmem_shared>> -> memref<640x80xf32, #tpu.memory_space<vmem_shared>>
      tpu.wait_dma2 semaphore(%run_scoped3A : memref<!tpu.dma_semaphore, #tpu.memory_space<semaphore_mem>>) src(%dma_wait3A_32 : memref<640x80xf32, #tpu.memory_space<vmem_shared>>) dst(%dma_wait3A_30 : memref<640x80xf32, #tpu.memory_space<hbm>>)
      tpu.yield
    }) : () -> ()
    %barrier3A_12 = arith.constant 0 : index
    tpu.barrier barrier_id(%barrier3A_12)
    %mul3A_13 = arith.constant 10000 : i32
    %mul3A_14 = arith.muli %add3A, %mul3A_13 : i32
    %multiple_of3A_15 = tpu.assume_multiple %mul3A_14, 8 : i32
    "tpu.region"() ({
      %run_scoped3A = tpu.sem_alloc : memref<!tpu.dma_semaphore, #tpu.memory_space<semaphore_mem>>
      %dma_start3A = tpu.memref_slice %arg6[%multiple_of3A_15] : memref<320000xi32, #tpu.memory_space<hbm>> -> memref<10000xi32, #tpu.memory_space<hbm>>
      %dma_start3A_25 = tpu.memref_slice %arg6[%multiple_of3A_15] : memref<320000xi32, #tpu.memory_space<hbm>> -> memref<10000xi32, #tpu.memory_space<hbm>>
      tpu.enqueue_dma source(%dma_start3A_25 : memref<10000xi32, #tpu.memory_space<hbm>>) target(%arg11 : memref<10000xi32, #tpu.memory_space<vmem>>) target_semaphore(%run_scoped3A : memref<!tpu.dma_semaphore, #tpu.memory_space<semaphore_mem>>)
      %dma_wait3A = tpu.memref_slice %arg6[%multiple_of3A_15] : memref<320000xi32, #tpu.memory_space<hbm>> -> memref<10000xi32, #tpu.memory_space<hbm>>
      %dma_wait3A_26 = tpu.memref_slice %arg6[%multiple_of3A_15] : memref<320000xi32, #tpu.memory_space<hbm>> -> memref<10000xi32, #tpu.memory_space<hbm>>
      tpu.wait_dma2 semaphore(%run_scoped3A : memref<!tpu.dma_semaphore, #tpu.memory_space<semaphore_mem>>) src(%dma_wait3A_26 : memref<10000xi32, #tpu.memory_space<hbm>>) dst(%arg11 : memref<10000xi32, #tpu.memory_space<vmem>>)
      tpu.yield
    }) : () -> ()
    "tpu.region"() ({
      %run_scoped3A = tpu.sem_alloc : memref<!tpu.dma_semaphore, #tpu.memory_space<semaphore_mem>>
      %dma_start3A = arith.constant 0 : i32
      %dma_start3A_25 = arith.constant 0 : i32
      %dma_start3A_26 = tpu.memref_slice %arg7[%add3A, %dma_start3A, %dma_start3A_25] : memref<32x25x400xi32, #tpu.memory_space<hbm>> -> memref<1x25x400xi32, #tpu.memory_space<hbm>>
      %dma_start3A_27 = tpu.memref_squeeze %dma_start3A_26 : memref<1x25x400xi32, #tpu.memory_space<hbm>> -> memref<25x400xi32, #tpu.memory_space<hbm>>
      %dma_start3A_28 = arith.constant 0 : i32
      %dma_start3A_29 = arith.constant 0 : i32
      %dma_start3A_30 = tpu.memref_slice %arg7[%add3A, %dma_start3A_28, %dma_start3A_29] : memref<32x25x400xi32, #tpu.memory_space<hbm>> -> memref<1x25x400xi32, #tpu.memory_space<hbm>>
      %dma_start3A_31 = tpu.memref_squeeze %dma_start3A_30 : memref<1x25x400xi32, #tpu.memory_space<hbm>> -> memref<25x400xi32, #tpu.memory_space<hbm>>
      tpu.enqueue_dma source(%dma_start3A_31 : memref<25x400xi32, #tpu.memory_space<hbm>>) target(%arg12 : memref<25x400xi32, #tpu.memory_space<vmem>>) target_semaphore(%run_scoped3A : memref<!tpu.dma_semaphore, #tpu.memory_space<semaphore_mem>>)
      %dma_wait3A = arith.constant 0 : i32
      %dma_wait3A_32 = arith.constant 0 : i32
      %dma_wait3A_33 = tpu.memref_slice %arg7[%add3A, %dma_wait3A, %dma_wait3A_32] : memref<32x25x400xi32, #tpu.memory_space<hbm>> -> memref<1x25x400xi32, #tpu.memory_space<hbm>>
      %dma_wait3A_34 = tpu.memref_squeeze %dma_wait3A_33 : memref<1x25x400xi32, #tpu.memory_space<hbm>> -> memref<25x400xi32, #tpu.memory_space<hbm>>
      %dma_wait3A_35 = arith.constant 0 : i32
      %dma_wait3A_36 = arith.constant 0 : i32
      %dma_wait3A_37 = tpu.memref_slice %arg7[%add3A, %dma_wait3A_35, %dma_wait3A_36] : memref<32x25x400xi32, #tpu.memory_space<hbm>> -> memref<1x25x400xi32, #tpu.memory_space<hbm>>
      %dma_wait3A_38 = tpu.memref_squeeze %dma_wait3A_37 : memref<1x25x400xi32, #tpu.memory_space<hbm>> -> memref<25x400xi32, #tpu.memory_space<hbm>>
      tpu.wait_dma2 semaphore(%run_scoped3A : memref<!tpu.dma_semaphore, #tpu.memory_space<semaphore_mem>>) src(%dma_wait3A_38 : memref<25x400xi32, #tpu.memory_space<hbm>>) dst(%arg12 : memref<25x400xi32, #tpu.memory_space<vmem>>)
      tpu.yield
    }) : () -> ()
    "tpu.region"() ({
      %run_scoped3A = tpu.sem_alloc : memref<!tpu.dma_semaphore, #tpu.memory_space<semaphore_mem>>
      %dma_start3A = arith.constant 0 : i32
      %dma_start3A_25 = tpu.memref_slice %arg14[%multiple_of3A, %dma_start3A] : memref<10240x80xf32, #tpu.memory_space<vmem_shared>> -> memref<640x80xf32, #tpu.memory_space<vmem_shared>>
      %dma_start3A_26 = arith.constant 0 : i32
      %dma_start3A_27 = tpu.memref_slice %arg8[%multiple_of3A, %dma_start3A_26] : memref<10240x80xf32, #tpu.memory_space<hbm>> -> memref<640x80xf32, #tpu.memory_space<hbm>>
      tpu.enqueue_dma source(%dma_start3A_27 : memref<640x80xf32, #tpu.memory_space<hbm>>) target(%dma_start3A_25 : memref<640x80xf32, #tpu.memory_space<vmem_shared>>) target_semaphore(%run_scoped3A : memref<!tpu.dma_semaphore, #tpu.memory_space<semaphore_mem>>)
      %dma_wait3A = arith.constant 0 : i32
      %dma_wait3A_28 = tpu.memref_slice %arg14[%multiple_of3A, %dma_wait3A] : memref<10240x80xf32, #tpu.memory_space<vmem_shared>> -> memref<640x80xf32, #tpu.memory_space<vmem_shared>>
      %dma_wait3A_29 = arith.constant 0 : i32
      %dma_wait3A_30 = tpu.memref_slice %arg8[%multiple_of3A, %dma_wait3A_29] : memref<10240x80xf32, #tpu.memory_space<hbm>> -> memref<640x80xf32, #tpu.memory_space<hbm>>
      tpu.wait_dma2 semaphore(%run_scoped3A : memref<!tpu.dma_semaphore, #tpu.memory_space<semaphore_mem>>) src(%dma_wait3A_30 : memref<640x80xf32, #tpu.memory_space<hbm>>) dst(%dma_wait3A_28 : memref<640x80xf32, #tpu.memory_space<vmem_shared>>)
      tpu.yield
    }) : () -> ()
    %barrier3A_16 = arith.constant 0 : index
    tpu.barrier barrier_id(%barrier3A_16)
    %scan3A_17 = arith.constant 0 : i32
    %scan3A_18 = arith.constant 0 : i32
    %scan3A_19 = arith.constant 25 : i32
    %scan3A_20 = arith.addi %scan3A_18, %scan3A_19 : i32
    %scan3A_21 = arith.constant 1 : i32
    scf.for %scan3A_25 = %scan3A_18 to %scan3A_20 step %scan3A_21  : i32 {
      %mul3A_26 = arith.constant 400 : i32
      %mul3A_27 = arith.muli %scan3A_25, %mul3A_26 : i32
      %multiple_of3A_28 = tpu.assume_multiple %mul3A_27, 8 : i32
      %dma_start3A = tpu.memref_slice %arg11[%multiple_of3A_28] : memref<10000xi32, #tpu.memory_space<vmem>> -> memref<400xi32, #tpu.memory_space<vmem>>
      %dma_start3A_29 = arith.constant 0 : i32
      %dma_start3A_30 = arith.constant 0 : i32
      %dma_start3A_31 = tpu.memref_slice %arg5[%dma_start3A_29, %dma_start3A_30] : memref<10000x80xf32, #tpu.memory_space<hbm>> -> memref<10000x80xf32, #tpu.memory_space<hbm>>
      tpu.enqueue_indirect_dma source(%dma_start3A_31 : memref<10000x80xf32, #tpu.memory_space<hbm>>) target(%arg13 : memref<400x80xf32, #tpu.memory_space<vmem>>) offsets(%dma_start3A : memref<400xi32, #tpu.memory_space<vmem>>) semaphore(%arg15 : memref<!tpu.dma_semaphore, #tpu.memory_space<semaphore_mem>>)
      %dma_wait3A = tpu.memref_slice %arg11[%multiple_of3A_28] : memref<10000xi32, #tpu.memory_space<vmem>> -> memref<400xi32, #tpu.memory_space<vmem>>
      %dma_wait3A_32 = arith.constant 0 : i32
      %dma_wait3A_33 = arith.constant 0 : i32
      %dma_wait3A_34 = tpu.memref_slice %arg5[%dma_wait3A_32, %dma_wait3A_33] : memref<10000x80xf32, #tpu.memory_space<hbm>> -> memref<10000x80xf32, #tpu.memory_space<hbm>>
      tpu.wait_indirect_dma semaphore(%arg15 : memref<!tpu.dma_semaphore, #tpu.memory_space<semaphore_mem>>) src(%dma_wait3A_34 : memref<10000x80xf32, #tpu.memory_space<hbm>>) dst(%arg13 : memref<400x80xf32, #tpu.memory_space<vmem>>)
      "tpu.region"() ({
        %run_scoped3A = tpu.sem_alloc : memref<!tpu.dma_semaphore, #tpu.memory_space<semaphore_mem>>
        %dma_start3A_35 = arith.constant 0 : i32
        %dma_start3A_36 = tpu.memref_slice %arg12[%scan3A_25, %dma_start3A_35] : memref<25x400xi32, #tpu.memory_space<vmem>> -> memref<1x400xi32, #tpu.memory_space<vmem>>
        %dma_start3A_37 = tpu.memref_squeeze %dma_start3A_36 : memref<1x400xi32, #tpu.memory_space<vmem>> -> memref<400xi32, #tpu.memory_space<vmem>>
        %dma_start3A_38 = arith.constant 0 : i32
        %dma_start3A_39 = arith.constant 0 : i32
        %dma_start3A_40 = tpu.memref_slice %arg14[%dma_start3A_38, %dma_start3A_39] : memref<10240x80xf32, #tpu.memory_space<vmem_shared>> -> memref<10240x80xf32, #tpu.memory_space<vmem_shared>>
        tpu.enqueue_indirect_dma source(%arg13 : memref<400x80xf32, #tpu.memory_space<vmem>>) target(%dma_start3A_40 : memref<10240x80xf32, #tpu.memory_space<vmem_shared>>) offsets(%dma_start3A_37 : memref<400xi32, #tpu.memory_space<vmem>>) semaphore(%run_scoped3A : memref<!tpu.dma_semaphore, #tpu.memory_space<semaphore_mem>>) {add = true}
        %dma_wait3A_41 = arith.constant 0 : i32
        %dma_wait3A_42 = tpu.memref_slice %arg12[%scan3A_25, %dma_wait3A_41] : memref<25x400xi32, #tpu.memory_space<vmem>> -> memref<1x400xi32, #tpu.memory_space<vmem>>
        %dma_wait3A_43 = tpu.memref_squeeze %dma_wait3A_42 : memref<1x400xi32, #tpu.memory_space<vmem>> -> memref<400xi32, #tpu.memory_space<vmem>>
        %dma_wait3A_44 = arith.constant 0 : i32
        %dma_wait3A_45 = arith.constant 0 : i32
        %dma_wait3A_46 = tpu.memref_slice %arg14[%dma_wait3A_44, %dma_wait3A_45] : memref<10240x80xf32, #tpu.memory_space<vmem_shared>> -> memref<10240x80xf32, #tpu.memory_space<vmem_shared>>
        tpu.wait_indirect_dma semaphore(%run_scoped3A : memref<!tpu.dma_semaphore, #tpu.memory_space<semaphore_mem>>) src(%arg13 : memref<400x80xf32, #tpu.memory_space<vmem>>) dst(%dma_wait3A_46 : memref<10240x80xf32, #tpu.memory_space<vmem_shared>>)
        tpu.yield
      }) : () -> ()
    }
    %scan3A_22 = arith.constant 25 : i32
    %barrier3A_23 = arith.constant 0 : index
    tpu.barrier barrier_id(%barrier3A_23)
    "tpu.region"() ({
      %run_scoped3A = tpu.sem_alloc : memref<!tpu.dma_semaphore, #tpu.memory_space<semaphore_mem>>
      %dma_start3A = arith.constant 0 : i32
      %dma_start3A_25 = tpu.memref_slice %arg10[%arg0, %multiple_of3A, %dma_start3A] : memref<2x10240x80xf32, #tpu.memory_space<hbm>> -> memref<1x640x80xf32, #tpu.memory_space<hbm>>
      %dma_start3A_26 = tpu.memref_squeeze %dma_start3A_25 : memref<1x640x80xf32, #tpu.memory_space<hbm>> -> memref<640x80xf32, #tpu.memory_space<hbm>>
      %dma_start3A_27 = arith.constant 0 : i32
      %dma_start3A_28 = tpu.memref_slice %arg14[%multiple_of3A, %dma_start3A_27] : memref<10240x80xf32, #tpu.memory_space<vmem_shared>> -> memref<640x80xf32, #tpu.memory_space<vmem_shared>>
      tpu.enqueue_dma source(%dma_start3A_28 : memref<640x80xf32, #tpu.memory_space<vmem_shared>>) target(%dma_start3A_26 : memref<640x80xf32, #tpu.memory_space<hbm>>) target_semaphore(%run_scoped3A : memref<!tpu.dma_semaphore, #tpu.memory_space<semaphore_mem>>)
      %dma_wait3A = arith.constant 0 : i32
      %dma_wait3A_29 = tpu.memref_slice %arg10[%arg0, %multiple_of3A, %dma_wait3A] : memref<2x10240x80xf32, #tpu.memory_space<hbm>> -> memref<1x640x80xf32, #tpu.memory_space<hbm>>
      %dma_wait3A_30 = tpu.memref_squeeze %dma_wait3A_29 : memref<1x640x80xf32, #tpu.memory_space<hbm>> -> memref<640x80xf32, #tpu.memory_space<hbm>>
      %dma_wait3A_31 = arith.constant 0 : i32
      %dma_wait3A_32 = tpu.memref_slice %arg14[%multiple_of3A, %dma_wait3A_31] : memref<10240x80xf32, #tpu.memory_space<vmem_shared>> -> memref<640x80xf32, #tpu.memory_space<vmem_shared>>
      tpu.wait_dma2 semaphore(%run_scoped3A : memref<!tpu.dma_semaphore, #tpu.memory_space<semaphore_mem>>) src(%dma_wait3A_32 : memref<640x80xf32, #tpu.memory_space<vmem_shared>>) dst(%dma_wait3A_30 : memref<640x80xf32, #tpu.memory_space<hbm>>)
      tpu.yield
    }) : () -> ()
    %barrier3A_24 = arith.constant 0 : index
    tpu.barrier barrier_id(%barrier3A_24)
    return
  }
}

#map = affine_map<(d0, d1) -> (0, 0)>
#map1 = affine_map<(d0, d1) -> (0)>
#map2 = affine_map<(d0, d1) -> (0, 0, 0)>
module attributes {stable_mosaic.version = 14 : i64} {
  func.func @body(%arg0: i32, %arg1: i32, %arg2: memref<10000x80xf32, #tpu.memory_space<hbm>>, %arg3: memref<320000xi32, #tpu.memory_space<hbm>>, %arg4: memref<32x25x400xi32, #tpu.memory_space<hbm>>, %arg5: memref<10000x80xf32, #tpu.memory_space<hbm>>, %arg6: memref<320000xi32, #tpu.memory_space<hbm>>, %arg7: memref<32x25x400xi32, #tpu.memory_space<hbm>>, %arg8: memref<10240x80xf32, #tpu.memory_space<hbm>>, %arg9: memref<2x10240x80xf32, #tpu.memory_space<hbm>>, %arg10: memref<2x10240x80xf32, #tpu.memory_space<hbm>>, %arg11: memref<10000xi32, #tpu.memory_space<vmem>>, %arg12: memref<25x400xi32, #tpu.memory_space<vmem>>, %arg13: memref<400x80xf32, #tpu.memory_space<vmem>>, %arg14: memref<10240x80xf32, #tpu.memory_space<vmem_shared>>, %arg15: memref<!tpu.dma_semaphore, #tpu.memory_space<semaphore_mem>>) attributes {dimension_semantics = [#tpu.dimension_semantics<core_parallel>, #tpu.dimension_semantics<subcore_parallel>], iteration_bounds = array<i64: 2, 16>, scalar_prefetch = 0 : i64, scratch_operands = 5 : i64, tpu.core_type = #tpu.core_type<sc_vector_subcore>, window_params = [{transform_indices = #map}, {transform_indices = #map1}, {transform_indices = #map2}, {transform_indices = #map}, {transform_indices = #map1}, {transform_indices = #map2}, {transform_indices = #map}, {transform_indices = #map2}, {transform_indices = #map2}]} {
    %mul3A = arith.constant 2 : i32
    %mul3A_0 = arith.muli %arg1, %mul3A : i32
    %add3A = arith.addi %mul3A_0, %arg0 : i32
    %mul3A_1 = arith.constant 640 : i32
    %mul3A_2 = arith.muli %arg1, %mul3A_1 : i32
    %multiple_of3A = tpu.assume_multiple %mul3A_2, 8 : i32
    %mul3A_3 = arith.constant 10000 : i32
    %mul3A_4 = arith.muli %add3A, %mul3A_3 : i32
    %multiple_of3A_5 = tpu.assume_multiple %mul3A_4, 8 : i32
    "tpu.region"() ({
      %run_scoped3A = tpu.sem_alloc : memref<!tpu.dma_semaphore, #tpu.memory_space<semaphore_mem>>
      %dma_start3A = tpu.memref_slice %arg3[%multiple_of3A_5] : memref<320000xi32, #tpu.memory_space<hbm>> -> memref<10000xi32, #tpu.memory_space<hbm>>
      %dma_start3A_25 = tpu.memref_slice %arg3[%multiple_of3A_5] : memref<320000xi32, #tpu.memory_space<hbm>> -> memref<10000xi32, #tpu.memory_space<hbm>>
      tpu.enqueue_dma source(%dma_start3A_25 : memref<10000xi32, #tpu.memory_space<hbm>>) target(%arg11 : memref<10000xi32, #tpu.memory_space<vmem>>) target_semaphore(%run_scoped3A : memref<!tpu.dma_semaphore, #tpu.memory_space<semaphore_mem>>)
      %dma_wait3A = tpu.memref_slice %arg3[%multiple_of3A_5] : memref<320000xi32, #tpu.memory_space<hbm>> -> memref<10000xi32, #tpu.memory_space<hbm>>
      %dma_wait3A_26 = tpu.memref_slice %arg3[%multiple_of3A_5] : memref<320000xi32, #tpu.memory_space<hbm>> -> memref<10000xi32, #tpu.memory_space<hbm>>
      tpu.wait_dma2 semaphore(%run_scoped3A : memref<!tpu.dma_semaphore, #tpu.memory_space<semaphore_mem>>) src(%dma_wait3A_26 : memref<10000xi32, #tpu.memory_space<hbm>>) dst(%arg11 : memref<10000xi32, #tpu.memory_space<vmem>>)
      tpu.yield
    }) : () -> ()
    "tpu.region"() ({
      %run_scoped3A = tpu.sem_alloc : memref<!tpu.dma_semaphore, #tpu.memory_space<semaphore_mem>>
      %dma_start3A = arith.constant 0 : i32
      %dma_start3A_25 = arith.constant 0 : i32
      %dma_start3A_26 = tpu.memref_slice %arg4[%add3A, %dma_start3A, %dma_start3A_25] : memref<32x25x400xi32, #tpu.memory_space<hbm>> -> memref<1x25x400xi32, #tpu.memory_space<hbm>>
      %dma_start3A_27 = tpu.memref_squeeze %dma_start3A_26 : memref<1x25x400xi32, #tpu.memory_space<hbm>> -> memref<25x400xi32, #tpu.memory_space<hbm>>
      %dma_start3A_28 = arith.constant 0 : i32
      %dma_start3A_29 = arith.constant 0 : i32
      %dma_start3A_30 = tpu.memref_slice %arg4[%add3A, %dma_start3A_28, %dma_start3A_29] : memref<32x25x400xi32, #tpu.memory_space<hbm>> -> memref<1x25x400xi32, #tpu.memory_space<hbm>>
      %dma_start3A_31 = tpu.memref_squeeze %dma_start3A_30 : memref<1x25x400xi32, #tpu.memory_space<hbm>> -> memref<25x400xi32, #tpu.memory_space<hbm>>
      tpu.enqueue_dma source(%dma_start3A_31 : memref<25x400xi32, #tpu.memory_space<hbm>>) target(%arg12 : memref<25x400xi32, #tpu.memory_space<vmem>>) target_semaphore(%run_scoped3A : memref<!tpu.dma_semaphore, #tpu.memory_space<semaphore_mem>>)
      %dma_wait3A = arith.constant 0 : i32
      %dma_wait3A_32 = arith.constant 0 : i32
      %dma_wait3A_33 = tpu.memref_slice %arg4[%add3A, %dma_wait3A, %dma_wait3A_32] : memref<32x25x400xi32, #tpu.memory_space<hbm>> -> memref<1x25x400xi32, #tpu.memory_space<hbm>>
      %dma_wait3A_34 = tpu.memref_squeeze %dma_wait3A_33 : memref<1x25x400xi32, #tpu.memory_space<hbm>> -> memref<25x400xi32, #tpu.memory_space<hbm>>
      %dma_wait3A_35 = arith.constant 0 : i32
      %dma_wait3A_36 = arith.constant 0 : i32
      %dma_wait3A_37 = tpu.memref_slice %arg4[%add3A, %dma_wait3A_35, %dma_wait3A_36] : memref<32x25x400xi32, #tpu.memory_space<hbm>> -> memref<1x25x400xi32, #tpu.memory_space<hbm>>
      %dma_wait3A_38 = tpu.memref_squeeze %dma_wait3A_37 : memref<1x25x400xi32, #tpu.memory_space<hbm>> -> memref<25x400xi32, #tpu.memory_space<hbm>>
      tpu.wait_dma2 semaphore(%run_scoped3A : memref<!tpu.dma_semaphore, #tpu.memory_space<semaphore_mem>>) src(%dma_wait3A_38 : memref<25x400xi32, #tpu.memory_space<hbm>>) dst(%arg12 : memref<25x400xi32, #tpu.memory_space<vmem>>)
      tpu.yield
    }) : () -> ()
    "tpu.region"() ({
      %run_scoped3A = tpu.sem_alloc : memref<!tpu.dma_semaphore, #tpu.memory_space<semaphore_mem>>
      %dma_start3A = arith.constant 0 : i32
      %dma_start3A_25 = tpu.memref_slice %arg14[%multiple_of3A, %dma_start3A] : memref<10240x80xf32, #tpu.memory_space<vmem_shared>> -> memref<640x80xf32, #tpu.memory_space<vmem_shared>>
      %dma_start3A_26 = arith.constant 0 : i32
      %dma_start3A_27 = tpu.memref_slice %arg8[%multiple_of3A, %dma_start3A_26] : memref<10240x80xf32, #tpu.memory_space<hbm>> -> memref<640x80xf32, #tpu.memory_space<hbm>>
      tpu.enqueue_dma source(%dma_start3A_27 : memref<640x80xf32, #tpu.memory_space<hbm>>) target(%dma_start3A_25 : memref<640x80xf32, #tpu.memory_space<vmem_shared>>) target_semaphore(%run_scoped3A : memref<!tpu.dma_semaphore, #tpu.memory_space<semaphore_mem>>)
      %dma_wait3A = arith.constant 0 : i32
      %dma_wait3A_28 = tpu.memref_slice %arg14[%multiple_of3A, %dma_wait3A] : memref<10240x80xf32, #tpu.memory_space<vmem_shared>> -> memref<640x80xf32, #tpu.memory_space<vmem_shared>>
      %dma_wait3A_29 = arith.constant 0 : i32
      %dma_wait3A_30 = tpu.memref_slice %arg8[%multiple_of3A, %dma_wait3A_29] : memref<10240x80xf32, #tpu.memory_space<hbm>> -> memref<640x80xf32, #tpu.memory_space<hbm>>
      tpu.wait_dma2 semaphore(%run_scoped3A : memref<!tpu.dma_semaphore, #tpu.memory_space<semaphore_mem>>) src(%dma_wait3A_30 : memref<640x80xf32, #tpu.memory_space<hbm>>) dst(%dma_wait3A_28 : memref<640x80xf32, #tpu.memory_space<vmem_shared>>)
      tpu.yield
    }) : () -> ()
    %barrier3A = arith.constant 0 : index
    tpu.barrier barrier_id(%barrier3A)
    %scan3A = arith.constant 0 : i32
    %scan3A_6 = arith.constant 0 : i32
    %scan3A_7 = arith.constant 25 : i32
    %scan3A_8 = arith.addi %scan3A_6, %scan3A_7 : i32
    %scan3A_9 = arith.constant 1 : i32
    scf.for %scan3A_25 = %scan3A_6 to %scan3A_8 step %scan3A_9  : i32 {
      %mul3A_26 = arith.constant 400 : i32
      %mul3A_27 = arith.muli %scan3A_25, %mul3A_26 : i32
      %multiple_of3A_28 = tpu.assume_multiple %mul3A_27, 8 : i32
      %dma_start3A = tpu.memref_slice %arg11[%multiple_of3A_28] : memref<10000xi32, #tpu.memory_space<vmem>> -> memref<400xi32, #tpu.memory_space<vmem>>
      %dma_start3A_29 = arith.constant 0 : i32
      %dma_start3A_30 = arith.constant 0 : i32
      %dma_start3A_31 = tpu.memref_slice %arg2[%dma_start3A_29, %dma_start3A_30] : memref<10000x80xf32, #tpu.memory_space<hbm>> -> memref<10000x80xf32, #tpu.memory_space<hbm>>
      tpu.enqueue_indirect_dma source(%dma_start3A_31 : memref<10000x80xf32, #tpu.memory_space<hbm>>) target(%arg13 : memref<400x80xf32, #tpu.memory_space<vmem>>) offsets(%dma_start3A : memref<400xi32, #tpu.memory_space<vmem>>) semaphore(%arg15 : memref<!tpu.dma_semaphore, #tpu.memory_space<semaphore_mem>>)
      %dma_wait3A = tpu.memref_slice %arg11[%multiple_of3A_28] : memref<10000xi32, #tpu.memory_space<vmem>> -> memref<400xi32, #tpu.memory_space<vmem>>
      %dma_wait3A_32 = arith.constant 0 : i32
      %dma_wait3A_33 = arith.constant 0 : i32
      %dma_wait3A_34 = tpu.memref_slice %arg2[%dma_wait3A_32, %dma_wait3A_33] : memref<10000x80xf32, #tpu.memory_space<hbm>> -> memref<10000x80xf32, #tpu.memory_space<hbm>>
      tpu.wait_indirect_dma semaphore(%arg15 : memref<!tpu.dma_semaphore, #tpu.memory_space<semaphore_mem>>) src(%dma_wait3A_34 : memref<10000x80xf32, #tpu.memory_space<hbm>>) dst(%arg13 : memref<400x80xf32, #tpu.memory_space<vmem>>)
      "tpu.region"() ({
        %run_scoped3A = tpu.sem_alloc : memref<!tpu.dma_semaphore, #tpu.memory_space<semaphore_mem>>
        %dma_start3A_35 = arith.constant 0 : i32
        %dma_start3A_36 = tpu.memref_slice %arg12[%scan3A_25, %dma_start3A_35] : memref<25x400xi32, #tpu.memory_space<vmem>> -> memref<1x400xi32, #tpu.memory_space<vmem>>
        %dma_start3A_37 = tpu.memref_squeeze %dma_start3A_36 : memref<1x400xi32, #tpu.memory_space<vmem>> -> memref<400xi32, #tpu.memory_space<vmem>>
        %dma_start3A_38 = arith.constant 0 : i32
        %dma_start3A_39 = arith.constant 0 : i32
        %dma_start3A_40 = tpu.memref_slice %arg14[%dma_start3A_38, %dma_start3A_39] : memref<10240x80xf32, #tpu.memory_space<vmem_shared>> -> memref<10240x80xf32, #tpu.memory_space<vmem_shared>>
        tpu.enqueue_indirect_dma source(%arg13 : memref<400x80xf32, #tpu.memory_space<vmem>>) target(%dma_start3A_40 : memref<10240x80xf32, #tpu.memory_space<vmem_shared>>) offsets(%dma_start3A_37 : memref<400xi32, #tpu.memory_space<vmem>>) semaphore(%run_scoped3A : memref<!tpu.dma_semaphore, #tpu.memory_space<semaphore_mem>>) {add = true}
        %dma_wait3A_41 = arith.constant 0 : i32
        %dma_wait3A_42 = tpu.memref_slice %arg12[%scan3A_25, %dma_wait3A_41] : memref<25x400xi32, #tpu.memory_space<vmem>> -> memref<1x400xi32, #tpu.memory_space<vmem>>
        %dma_wait3A_43 = tpu.memref_squeeze %dma_wait3A_42 : memref<1x400xi32, #tpu.memory_space<vmem>> -> memref<400xi32, #tpu.memory_space<vmem>>
        %dma_wait3A_44 = arith.constant 0 : i32
        %dma_wait3A_45 = arith.constant 0 : i32
        %dma_wait3A_46 = tpu.memref_slice %arg14[%dma_wait3A_44, %dma_wait3A_45] : memref<10240x80xf32, #tpu.memory_space<vmem_shared>> -> memref<10240x80xf32, #tpu.memory_space<vmem_shared>>
        tpu.wait_indirect_dma semaphore(%run_scoped3A : memref<!tpu.dma_semaphore, #tpu.memory_space<semaphore_mem>>) src(%arg13 : memref<400x80xf32, #tpu.memory_space<vmem>>) dst(%dma_wait3A_46 : memref<10240x80xf32, #tpu.memory_space<vmem_shared>>)
        tpu.yield
      }) : () -> ()
    }
    %scan3A_10 = arith.constant 25 : i32
    %barrier3A_11 = arith.constant 0 : index
    tpu.barrier barrier_id(%barrier3A_11)
    "tpu.region"() ({
      %run_scoped3A = tpu.sem_alloc : memref<!tpu.dma_semaphore, #tpu.memory_space<semaphore_mem>>
      %dma_start3A = arith.constant 0 : i32
      %dma_start3A_25 = tpu.memref_slice %arg9[%arg0, %multiple_of3A, %dma_start3A] : memref<2x10240x80xf32, #tpu.memory_space<hbm>> -> memref<1x640x80xf32, #tpu.memory_space<hbm>>
      %dma_start3A_26 = tpu.memref_squeeze %dma_start3A_25 : memref<1x640x80xf32, #tpu.memory_space<hbm>> -> memref<640x80xf32, #tpu.memory_space<hbm>>
      %dma_start3A_27 = arith.constant 0 : i32
      %dma_start3A_28 = tpu.memref_slice %arg14[%multiple_of3A, %dma_start3A_27] : memref<10240x80xf32, #tpu.memory_space<vmem_shared>> -> memref<640x80xf32, #tpu.memory_space<vmem_shared>>
      tpu.enqueue_dma source(%dma_start3A_28 : memref<640x80xf32, #tpu.memory_space<vmem_shared>>) target(%dma_start3A_26 : memref<640x80xf32, #tpu.memory_space<hbm>>) target_semaphore(%run_scoped3A : memref<!tpu.dma_semaphore, #tpu.memory_space<semaphore_mem>>)
      %dma_wait3A = arith.constant 0 : i32
      %dma_wait3A_29 = tpu.memref_slice %arg9[%arg0, %multiple_of3A, %dma_wait3A] : memref<2x10240x80xf32, #tpu.memory_space<hbm>> -> memref<1x640x80xf32, #tpu.memory_space<hbm>>
      %dma_wait3A_30 = tpu.memref_squeeze %dma_wait3A_29 : memref<1x640x80xf32, #tpu.memory_space<hbm>> -> memref<640x80xf32, #tpu.memory_space<hbm>>
      %dma_wait3A_31 = arith.constant 0 : i32
      %dma_wait3A_32 = tpu.memref_slice %arg14[%multiple_of3A, %dma_wait3A_31] : memref<10240x80xf32, #tpu.memory_space<vmem_shared>> -> memref<640x80xf32, #tpu.memory_space<vmem_shared>>
      tpu.wait_dma2 semaphore(%run_scoped3A : memref<!tpu.dma_semaphore, #tpu.memory_space<semaphore_mem>>) src(%dma_wait3A_32 : memref<640x80xf32, #tpu.memory_space<vmem_shared>>) dst(%dma_wait3A_30 : memref<640x80xf32, #tpu.memory_space<hbm>>)
      tpu.yield
    }) : () -> ()
    %barrier3A_12 = arith.constant 0 : index
    tpu.barrier barrier_id(%barrier3A_12)
    %mul3A_13 = arith.constant 10000 : i32
    %mul3A_14 = arith.muli %add3A, %mul3A_13 : i32
    %multiple_of3A_15 = tpu.assume_multiple %mul3A_14, 8 : i32
    "tpu.region"() ({
      %run_scoped3A = tpu.sem_alloc : memref<!tpu.dma_semaphore, #tpu.memory_space<semaphore_mem>>
      %dma_start3A = tpu.memref_slice %arg6[%multiple_of3A_15] : memref<320000xi32, #tpu.memory_space<hbm>> -> memref<10000xi32, #tpu.memory_space<hbm>>
      %dma_start3A_25 = tpu.memref_slice %arg6[%multiple_of3A_15] : memref<320000xi32, #tpu.memory_space<hbm>> -> memref<10000xi32, #tpu.memory_space<hbm>>
      tpu.enqueue_dma source(%dma_start3A_25 : memref<10000xi32, #tpu.memory_space<hbm>>) target(%arg11 : memref<10000xi32, #tpu.memory_space<vmem>>) target_semaphore(%run_scoped3A : memref<!tpu.dma_semaphore, #tpu.memory_space<semaphore_mem>>)
      %dma_wait3A = tpu.memref_slice %arg6[%multiple_of3A_15] : memref<320000xi32, #tpu.memory_space<hbm>> -> memref<10000xi32, #tpu.memory_space<hbm>>
      %dma_wait3A_26 = tpu.memref_slice %arg6[%multiple_of3A_15] : memref<320000xi32, #tpu.memory_space<hbm>> -> memref<10000xi32, #tpu.memory_space<hbm>>
      tpu.wait_dma2 semaphore(%run_scoped3A : memref<!tpu.dma_semaphore, #tpu.memory_space<semaphore_mem>>) src(%dma_wait3A_26 : memref<10000xi32, #tpu.memory_space<hbm>>) dst(%arg11 : memref<10000xi32, #tpu.memory_space<vmem>>)
      tpu.yield
    }) : () -> ()
    "tpu.region"() ({
      %run_scoped3A = tpu.sem_alloc : memref<!tpu.dma_semaphore, #tpu.memory_space<semaphore_mem>>
      %dma_start3A = arith.constant 0 : i32
      %dma_start3A_25 = arith.constant 0 : i32
      %dma_start3A_26 = tpu.memref_slice %arg7[%add3A, %dma_start3A, %dma_start3A_25] : memref<32x25x400xi32, #tpu.memory_space<hbm>> -> memref<1x25x400xi32, #tpu.memory_space<hbm>>
      %dma_start3A_27 = tpu.memref_squeeze %dma_start3A_26 : memref<1x25x400xi32, #tpu.memory_space<hbm>> -> memref<25x400xi32, #tpu.memory_space<hbm>>
      %dma_start3A_28 = arith.constant 0 : i32
      %dma_start3A_29 = arith.constant 0 : i32
      %dma_start3A_30 = tpu.memref_slice %arg7[%add3A, %dma_start3A_28, %dma_start3A_29] : memref<32x25x400xi32, #tpu.memory_space<hbm>> -> memref<1x25x400xi32, #tpu.memory_space<hbm>>
      %dma_start3A_31 = tpu.memref_squeeze %dma_start3A_30 : memref<1x25x400xi32, #tpu.memory_space<hbm>> -> memref<25x400xi32, #tpu.memory_space<hbm>>
      tpu.enqueue_dma source(%dma_start3A_31 : memref<25x400xi32, #tpu.memory_space<hbm>>) target(%arg12 : memref<25x400xi32, #tpu.memory_space<vmem>>) target_semaphore(%run_scoped3A : memref<!tpu.dma_semaphore, #tpu.memory_space<semaphore_mem>>)
      %dma_wait3A = arith.constant 0 : i32
      %dma_wait3A_32 = arith.constant 0 : i32
      %dma_wait3A_33 = tpu.memref_slice %arg7[%add3A, %dma_wait3A, %dma_wait3A_32] : memref<32x25x400xi32, #tpu.memory_space<hbm>> -> memref<1x25x400xi32, #tpu.memory_space<hbm>>
      %dma_wait3A_34 = tpu.memref_squeeze %dma_wait3A_33 : memref<1x25x400xi32, #tpu.memory_space<hbm>> -> memref<25x400xi32, #tpu.memory_space<hbm>>
      %dma_wait3A_35 = arith.constant 0 : i32
      %dma_wait3A_36 = arith.constant 0 : i32
      %dma_wait3A_37 = tpu.memref_slice %arg7[%add3A, %dma_wait3A_35, %dma_wait3A_36] : memref<32x25x400xi32, #tpu.memory_space<hbm>> -> memref<1x25x400xi32, #tpu.memory_space<hbm>>
      %dma_wait3A_38 = tpu.memref_squeeze %dma_wait3A_37 : memref<1x25x400xi32, #tpu.memory_space<hbm>> -> memref<25x400xi32, #tpu.memory_space<hbm>>
      tpu.wait_dma2 semaphore(%run_scoped3A : memref<!tpu.dma_semaphore, #tpu.memory_space<semaphore_mem>>) src(%dma_wait3A_38 : memref<25x400xi32, #tpu.memory_space<hbm>>) dst(%arg12 : memref<25x400xi32, #tpu.memory_space<vmem>>)
      tpu.yield
    }) : () -> ()
    "tpu.region"() ({
      %run_scoped3A = tpu.sem_alloc : memref<!tpu.dma_semaphore, #tpu.memory_space<semaphore_mem>>
      %dma_start3A = arith.constant 0 : i32
      %dma_start3A_25 = tpu.memref_slice %arg14[%multiple_of3A, %dma_start3A] : memref<10240x80xf32, #tpu.memory_space<vmem_shared>> -> memref<640x80xf32, #tpu.memory_space<vmem_shared>>
      %dma_start3A_26 = arith.constant 0 : i32
      %dma_start3A_27 = tpu.memref_slice %arg8[%multiple_of3A, %dma_start3A_26] : memref<10240x80xf32, #tpu.memory_space<hbm>> -> memref<640x80xf32, #tpu.memory_space<hbm>>
      tpu.enqueue_dma source(%dma_start3A_27 : memref<640x80xf32, #tpu.memory_space<hbm>>) target(%dma_start3A_25 : memref<640x80xf32, #tpu.memory_space<vmem_shared>>) target_semaphore(%run_scoped3A : memref<!tpu.dma_semaphore, #tpu.memory_space<semaphore_mem>>)
      %dma_wait3A = arith.constant 0 : i32
      %dma_wait3A_28 = tpu.memref_slice %arg14[%multiple_of3A, %dma_wait3A] : memref<10240x80xf32, #tpu.memory_space<vmem_shared>> -> memref<640x80xf32, #tpu.memory_space<vmem_shared>>
      %dma_wait3A_29 = arith.constant 0 : i32
      %dma_wait3A_30 = tpu.memref_slice %arg8[%multiple_of3A, %dma_wait3A_29] : memref<10240x80xf32, #tpu.memory_space<hbm>> -> memref<640x80xf32, #tpu.memory_space<hbm>>
      tpu.wait_dma2 semaphore(%run_scoped3A : memref<!tpu.dma_semaphore, #tpu.memory_space<semaphore_mem>>) src(%dma_wait3A_30 : memref<640x80xf32, #tpu.memory_space<hbm>>) dst(%dma_wait3A_28 : memref<640x80xf32, #tpu.memory_space<vmem_shared>>)
      tpu.yield
    }) : () -> ()
    %barrier3A_16 = arith.constant 0 : index
    tpu.barrier barrier_id(%barrier3A_16)
    %scan3A_17 = arith.constant 0 : i32
    %scan3A_18 = arith.constant 0 : i32
    %scan3A_19 = arith.constant 25 : i32
    %scan3A_20 = arith.addi %scan3A_18, %scan3A_19 : i32
    %scan3A_21 = arith.constant 1 : i32
    scf.for %scan3A_25 = %scan3A_18 to %scan3A_20 step %scan3A_21  : i32 {
      %mul3A_26 = arith.constant 400 : i32
      %mul3A_27 = arith.muli %scan3A_25, %mul3A_26 : i32
      %multiple_of3A_28 = tpu.assume_multiple %mul3A_27, 8 : i32
      %dma_start3A = tpu.memref_slice %arg11[%multiple_of3A_28] : memref<10000xi32, #tpu.memory_space<vmem>> -> memref<400xi32, #tpu.memory_space<vmem>>
      %dma_start3A_29 = arith.constant 0 : i32
      %dma_start3A_30 = arith.constant 0 : i32
      %dma_start3A_31 = tpu.memref_slice %arg5[%dma_start3A_29, %dma_start3A_30] : memref<10000x80xf32, #tpu.memory_space<hbm>> -> memref<10000x80xf32, #tpu.memory_space<hbm>>
      tpu.enqueue_indirect_dma source(%dma_start3A_31 : memref<10000x80xf32, #tpu.memory_space<hbm>>) target(%arg13 : memref<400x80xf32, #tpu.memory_space<vmem>>) offsets(%dma_start3A : memref<400xi32, #tpu.memory_space<vmem>>) semaphore(%arg15 : memref<!tpu.dma_semaphore, #tpu.memory_space<semaphore_mem>>)
      %dma_wait3A = tpu.memref_slice %arg11[%multiple_of3A_28] : memref<10000xi32, #tpu.memory_space<vmem>> -> memref<400xi32, #tpu.memory_space<vmem>>
      %dma_wait3A_32 = arith.constant 0 : i32
      %dma_wait3A_33 = arith.constant 0 : i32
      %dma_wait3A_34 = tpu.memref_slice %arg5[%dma_wait3A_32, %dma_wait3A_33] : memref<10000x80xf32, #tpu.memory_space<hbm>> -> memref<10000x80xf32, #tpu.memory_space<hbm>>
      tpu.wait_indirect_dma semaphore(%arg15 : memref<!tpu.dma_semaphore, #tpu.memory_space<semaphore_mem>>) src(%dma_wait3A_34 : memref<10000x80xf32, #tpu.memory_space<hbm>>) dst(%arg13 : memref<400x80xf32, #tpu.memory_space<vmem>>)
      "tpu.region"() ({
        %run_scoped3A = tpu.sem_alloc : memref<!tpu.dma_semaphore, #tpu.memory_space<semaphore_mem>>
        %dma_start3A_35 = arith.constant 0 : i32
        %dma_start3A_36 = tpu.memref_slice %arg12[%scan3A_25, %dma_start3A_35] : memref<25x400xi32, #tpu.memory_space<vmem>> -> memref<1x400xi32, #tpu.memory_space<vmem>>
        %dma_start3A_37 = tpu.memref_squeeze %dma_start3A_36 : memref<1x400xi32, #tpu.memory_space<vmem>> -> memref<400xi32, #tpu.memory_space<vmem>>
        %dma_start3A_38 = arith.constant 0 : i32
        %dma_start3A_39 = arith.constant 0 : i32
        %dma_start3A_40 = tpu.memref_slice %arg14[%dma_start3A_38, %dma_start3A_39] : memref<10240x80xf32, #tpu.memory_space<vmem_shared>> -> memref<10240x80xf32, #tpu.memory_space<vmem_shared>>
        tpu.enqueue_indirect_dma source(%arg13 : memref<400x80xf32, #tpu.memory_space<vmem>>) target(%dma_start3A_40 : memref<10240x80xf32, #tpu.memory_space<vmem_shared>>) offsets(%dma_start3A_37 : memref<400xi32, #tpu.memory_space<vmem>>) semaphore(%run_scoped3A : memref<!tpu.dma_semaphore, #tpu.memory_space<semaphore_mem>>) {add = true}
        %dma_wait3A_41 = arith.constant 0 : i32
        %dma_wait3A_42 = tpu.memref_slice %arg12[%scan3A_25, %dma_wait3A_41] : memref<25x400xi32, #tpu.memory_space<vmem>> -> memref<1x400xi32, #tpu.memory_space<vmem>>
        %dma_wait3A_43 = tpu.memref_squeeze %dma_wait3A_42 : memref<1x400xi32, #tpu.memory_space<vmem>> -> memref<400xi32, #tpu.memory_space<vmem>>
        %dma_wait3A_44 = arith.constant 0 : i32
        %dma_wait3A_45 = arith.constant 0 : i32
        %dma_wait3A_46 = tpu.memref_slice %arg14[%dma_wait3A_44, %dma_wait3A_45] : memref<10240x80xf32, #tpu.memory_space<vmem_shared>> -> memref<10240x80xf32, #tpu.memory_space<vmem_shared>>
        tpu.wait_indirect_dma semaphore(%run_scoped3A : memref<!tpu.dma_semaphore, #tpu.memory_space<semaphore_mem>>) src(%arg13 : memref<400x80xf32, #tpu.memory_space<vmem>>) dst(%dma_wait3A_46 : memref<10240x80xf32, #tpu.memory_space<vmem_shared>>)
        tpu.yield
      }) : () -> ()
    }
    %scan3A_22 = arith.constant 25 : i32
    %barrier3A_23 = arith.constant 0 : index
    tpu.barrier barrier_id(%barrier3A_23)
    "tpu.region"() ({
      %run_scoped3A = tpu.sem_alloc : memref<!tpu.dma_semaphore, #tpu.memory_space<semaphore_mem>>
      %dma_start3A = arith.constant 0 : i32
      %dma_start3A_25 = tpu.memref_slice %arg10[%arg0, %multiple_of3A, %dma_start3A] : memref<2x10240x80xf32, #tpu.memory_space<hbm>> -> memref<1x640x80xf32, #tpu.memory_space<hbm>>
      %dma_start3A_26 = tpu.memref_squeeze %dma_start3A_25 : memref<1x640x80xf32, #tpu.memory_space<hbm>> -> memref<640x80xf32, #tpu.memory_space<hbm>>
      %dma_start3A_27 = arith.constant 0 : i32
      %dma_start3A_28 = tpu.memref_slice %arg14[%multiple_of3A, %dma_start3A_27] : memref<10240x80xf32, #tpu.memory_space<vmem_shared>> -> memref<640x80xf32, #tpu.memory_space<vmem_shared>>
      tpu.enqueue_dma source(%dma_start3A_28 : memref<640x80xf32, #tpu.memory_space<vmem_shared>>) target(%dma_start3A_26 : memref<640x80xf32, #tpu.memory_space<hbm>>) target_semaphore(%run_scoped3A : memref<!tpu.dma_semaphore, #tpu.memory_space<semaphore_mem>>)
      %dma_wait3A = arith.constant 0 : i32
      %dma_wait3A_29 = tpu.memref_slice %arg10[%arg0, %multiple_of3A, %dma_wait3A] : memref<2x10240x80xf32, #tpu.memory_space<hbm>> -> memref<1x640x80xf32, #tpu.memory_space<hbm>>
      %dma_wait3A_30 = tpu.memref_squeeze %dma_wait3A_29 : memref<1x640x80xf32, #tpu.memory_space<hbm>> -> memref<640x80xf32, #tpu.memory_space<hbm>>
      %dma_wait3A_31 = arith.constant 0 : i32
      %dma_wait3A_32 = tpu.memref_slice %arg14[%multiple_of3A, %dma_wait3A_31] : memref<10240x80xf32, #tpu.memory_space<vmem_shared>> -> memref<640x80xf32, #tpu.memory_space<vmem_shared>>
      tpu.wait_dma2 semaphore(%run_scoped3A : memref<!tpu.dma_semaphore, #tpu.memory_space<semaphore_mem>>) src(%dma_wait3A_32 : memref<640x80xf32, #tpu.memory_space<vmem_shared>>) dst(%dma_wait3A_30 : memref<640x80xf32, #tpu.memory_space<hbm>>)
      tpu.yield
    }) : () -> ()
    %barrier3A_24 = arith.constant 0 : index
    tpu.barrier barrier_id(%barrier3A_24)
    return
  }
}

module attributes {stable_mosaic.version = 14 : i64} {
  func.func @_tc1_body(%arg0: i32, %arg1: memref<1000x128xf32, #tpu.memory_space<vmem>>, %arg2: memref<1000x128xf32, #tpu.memory_space<vmem>>, %arg3: memref<128x64xf32, #tpu.memory_space<vmem>>, %arg4: memref<128x64xf32, #tpu.memory_space<vmem>>, %arg5: memref<128x64xf32, #tpu.memory_space<vmem>>, %arg6: memref<128x64xf32, #tpu.memory_space<vmem>>, %arg7: memref<1000x80xf32, #tpu.memory_space<vmem>>, %arg8: memref<1000x64xf32, #tpu.memory_space<vmem>>, %arg9: memref<1000x80xf32, #tpu.memory_space<vmem>>, %arg10: memref<1000x64xf32, #tpu.memory_space<vmem>>) attributes {dimension_semantics = [#tpu.dimension_semantics<arbitrary>], iteration_bounds = array<i64: 10>, scalar_prefetch = 0 : i64, scratch_operands = 0 : i64, tpu.core_type = #tpu.core_type<tc>, window_params = [{transform_indices = @transform_0, window_bounds = array<i64: 1000, 128>}, {transform_indices = @transform_1, window_bounds = array<i64: 1000, 128>}, {pipeline_mode = #tpu.pipeline_mode<synchronous>, transform_indices = @transform_2, window_bounds = array<i64: 128, 64>}, {pipeline_mode = #tpu.pipeline_mode<synchronous>, transform_indices = @transform_3, window_bounds = array<i64: 128, 64>}, {pipeline_mode = #tpu.pipeline_mode<synchronous>, transform_indices = @transform_4, window_bounds = array<i64: 128, 64>}, {pipeline_mode = #tpu.pipeline_mode<synchronous>, transform_indices = @transform_5, window_bounds = array<i64: 128, 64>}, {transform_indices = @transform_6, window_bounds = array<i64: 1000, 80>}, {transform_indices = @transform_7, window_bounds = array<i64: 1000, 64>}, {transform_indices = @transform_8, window_bounds = array<i64: 1000, 80>}, {transform_indices = @transform_9, window_bounds = array<i64: 1000, 64>}]} {
    %get3A = arith.constant 0 : index
    %get3A_0 = arith.constant 0 : index
    %get3A_1 = vector.load %arg1[%get3A, %get3A_0] : memref<1000x128xf32, #tpu.memory_space<vmem>>, vector<1000x128xf32>
    %get3A_2 = arith.constant 0 : index
    %get3A_3 = arith.constant 0 : index
    %get3A_4 = vector.load %arg2[%get3A_2, %get3A_3] : memref<1000x128xf32, #tpu.memory_space<vmem>>, vector<1000x128xf32>
    %broadcast_in_dim3A = arith.constant 1.000000e+00 : f32
    %broadcast_in_dim3A_5 = vector.broadcast %broadcast_in_dim3A : f32 to vector<1000x1xf32>
    %get3A_6 = arith.constant 0 : index
    %get3A_7 = arith.constant 0 : index
    %get3A_8 = vector.load %arg3[%get3A_6, %get3A_7] : memref<128x64xf32, #tpu.memory_space<vmem>>, vector<128x64xf32>
    %dot_general3A = arith.constant dense<0.000000e+00> : vector<1000x64xf32>
    %dot_general3A_9 = tpu.matmul %get3A_1, %get3A_8, %dot_general3A {dimension_numbers = #tpu.dot_dimension_numbers<[1], [0], [0], [1], [0, 0, 1, 1], [], []>, precision = #tpu.contract_precision<fp32>, transpose_lhs_hint = false} : vector<1000x128xf32>, vector<128x64xf32>, vector<1000x64xf32> -> vector<1000x64xf32>
    %broadcast_in_dim3A_10 = arith.constant 0.000000e+00 : f32
    %broadcast_in_dim3A_11 = vector.broadcast %broadcast_in_dim3A_10 : f32 to vector<1000x15xf32>
    %concatenate3A = tpu.concatenate %dot_general3A_9, %broadcast_in_dim3A_5, %broadcast_in_dim3A_11 in 1 : vector<1000x64xf32>, vector<1000x1xf32>, vector<1000x15xf32> -> vector<1000x80xf32>
    %swap3A = arith.constant 0 : index
    %swap3A_12 = arith.constant 0 : index
    %swap3A_13 = vector.load %arg7[%swap3A, %swap3A_12] : memref<1000x80xf32, #tpu.memory_space<vmem>>, vector<1000x80xf32>
    tpu.vector_store %arg7[%swap3A, %swap3A_12], %concatenate3A {strides = array<i32>} : memref<1000x80xf32, #tpu.memory_space<vmem>>, vector<1000x80xf32>,
    %get3A_14 = arith.constant 0 : index
    %get3A_15 = arith.constant 0 : index
    %get3A_16 = vector.load %arg4[%get3A_14, %get3A_15] : memref<128x64xf32, #tpu.memory_space<vmem>>, vector<128x64xf32>
    %dot_general3A_17 = arith.constant dense<0.000000e+00> : vector<1000x64xf32>
    %dot_general3A_18 = tpu.matmul %get3A_1, %get3A_16, %dot_general3A_17 {dimension_numbers = #tpu.dot_dimension_numbers<[1], [0], [0], [1], [0, 0, 1, 1], [], []>, precision = #tpu.contract_precision<fp32>, transpose_lhs_hint = false} : vector<1000x128xf32>, vector<128x64xf32>, vector<1000x64xf32> -> vector<1000x64xf32>
    %swap3A_19 = arith.constant 0 : index
    %swap3A_20 = arith.constant 0 : index
    %swap3A_21 = vector.load %arg8[%swap3A_19, %swap3A_20] : memref<1000x64xf32, #tpu.memory_space<vmem>>, vector<1000x64xf32>
    tpu.vector_store %arg8[%swap3A_19, %swap3A_20], %dot_general3A_18 {strides = array<i32>} : memref<1000x64xf32, #tpu.memory_space<vmem>>, vector<1000x64xf32>,
    %get3A_22 = arith.constant 0 : index
    %get3A_23 = arith.constant 0 : index
    %get3A_24 = vector.load %arg5[%get3A_22, %get3A_23] : memref<128x64xf32, #tpu.memory_space<vmem>>, vector<128x64xf32>
    %dot_general3A_25 = arith.constant dense<0.000000e+00> : vector<1000x64xf32>
    %dot_general3A_26 = tpu.matmul %get3A_4, %get3A_24, %dot_general3A_25 {dimension_numbers = #tpu.dot_dimension_numbers<[1], [0], [0], [1], [0, 0, 1, 1], [], []>, precision = #tpu.contract_precision<fp32>, transpose_lhs_hint = false} : vector<1000x128xf32>, vector<128x64xf32>, vector<1000x64xf32> -> vector<1000x64xf32>
    %broadcast_in_dim3A_27 = arith.constant 0.000000e+00 : f32
    %broadcast_in_dim3A_28 = vector.broadcast %broadcast_in_dim3A_27 : f32 to vector<1000x15xf32>
    %concatenate3A_29 = tpu.concatenate %dot_general3A_26, %broadcast_in_dim3A_5, %broadcast_in_dim3A_28 in 1 : vector<1000x64xf32>, vector<1000x1xf32>, vector<1000x15xf32> -> vector<1000x80xf32>
    %swap3A_30 = arith.constant 0 : index
    %swap3A_31 = arith.constant 0 : index
    %swap3A_32 = vector.load %arg9[%swap3A_30, %swap3A_31] : memref<1000x80xf32, #tpu.memory_space<vmem>>, vector<1000x80xf32>
    tpu.vector_store %arg9[%swap3A_30, %swap3A_31], %concatenate3A_29 {strides = array<i32>} : memref<1000x80xf32, #tpu.memory_space<vmem>>, vector<1000x80xf32>,
    %get3A_33 = arith.constant 0 : index
    %get3A_34 = arith.constant 0 : index
    %get3A_35 = vector.load %arg6[%get3A_33, %get3A_34] : memref<128x64xf32, #tpu.memory_space<vmem>>, vector<128x64xf32>
    %dot_general3A_36 = arith.constant dense<0.000000e+00> : vector<1000x64xf32>
    %dot_general3A_37 = tpu.matmul %get3A_4, %get3A_35, %dot_general3A_36 {dimension_numbers = #tpu.dot_dimension_numbers<[1], [0], [0], [1], [0, 0, 1, 1], [], []>, precision = #tpu.contract_precision<fp32>, transpose_lhs_hint = false} : vector<1000x128xf32>, vector<128x64xf32>, vector<1000x64xf32> -> vector<1000x64xf32>
    %swap3A_38 = arith.constant 0 : index
    %swap3A_39 = arith.constant 0 : index
    %swap3A_40 = vector.load %arg10[%swap3A_38, %swap3A_39] : memref<1000x64xf32, #tpu.memory_space<vmem>>, vector<1000x64xf32>
    tpu.vector_store %arg10[%swap3A_38, %swap3A_39], %dot_general3A_37 {strides = array<i32>} : memref<1000x64xf32, #tpu.memory_space<vmem>>, vector<1000x64xf32>,
    return
  }
  func.func @transform_0(%arg0: i32) -> (i32, i32) {
    %c0_i32 = arith.constant 0 : i32
    %c0_i32_0 = arith.constant 0 : i32
    return %arg0, %c0_i32 : i32, i32
  }
  func.func @transform_1(%arg0: i32) -> (i32, i32) {
    %c0_i32 = arith.constant 0 : i32
    %c0_i32_0 = arith.constant 0 : i32
    return %arg0, %c0_i32 : i32, i32
  }
  func.func @transform_2(%arg0: i32) -> (i32, i32) {
    %c0_i32 = arith.constant 0 : i32
    %c0_i32_0 = arith.constant 0 : i32
    %c0_i32_1 = arith.constant 0 : i32
    return %c0_i32, %c0_i32_0 : i32, i32
  }
  func.func @transform_3(%arg0: i32) -> (i32, i32) {
    %c0_i32 = arith.constant 0 : i32
    %c0_i32_0 = arith.constant 0 : i32
    %c0_i32_1 = arith.constant 0 : i32
    return %c0_i32, %c0_i32_0 : i32, i32
  }
  func.func @transform_4(%arg0: i32) -> (i32, i32) {
    %c0_i32 = arith.constant 0 : i32
    %c0_i32_0 = arith.constant 0 : i32
    %c0_i32_1 = arith.constant 0 : i32
    return %c0_i32, %c0_i32_0 : i32, i32
  }
  func.func @transform_5(%arg0: i32) -> (i32, i32) {
    %c0_i32 = arith.constant 0 : i32
    %c0_i32_0 = arith.constant 0 : i32
    %c0_i32_1 = arith.constant 0 : i32
    return %c0_i32, %c0_i32_0 : i32, i32
  }
  func.func @transform_6(%arg0: i32) -> (i32, i32) {
    %c0_i32 = arith.constant 0 : i32
    %c0_i32_0 = arith.constant 0 : i32
    return %arg0, %c0_i32 : i32, i32
  }
  func.func @transform_7(%arg0: i32) -> (i32, i32) {
    %c0_i32 = arith.constant 0 : i32
    %c0_i32_0 = arith.constant 0 : i32
    return %arg0, %c0_i32 : i32, i32
  }
  func.func @transform_8(%arg0: i32) -> (i32, i32) {
    %c0_i32 = arith.constant 0 : i32
    %c0_i32_0 = arith.constant 0 : i32
    return %arg0, %c0_i32 : i32, i32
  }
  func.func @transform_9(%arg0: i32) -> (i32, i32) {
    %c0_i32 = arith.constant 0 : i32
    %c0_i32_0 = arith.constant 0 : i32
    return %arg0, %c0_i32 : i32, i32
  }
}

module attributes {stable_mosaic.version = 14 : i64} {
  func.func @_tc2_body(%arg0: i32, %arg1: memref<2x1000x80xf32, #tpu.memory_space<vmem>>, %arg2: memref<2x1000x80xf32, #tpu.memory_space<vmem>>, %arg3: memref<1000x64xf32, #tpu.memory_space<vmem>>, %arg4: memref<1000x64xf32, #tpu.memory_space<vmem>>, %arg5: memref<1x64xf32, #tpu.memory_space<vmem>>, %arg6: memref<1x64xf32, #tpu.memory_space<vmem>>, %arg7: memref<64x64xf32, #tpu.memory_space<vmem>>, %arg8: memref<64x64xf32, #tpu.memory_space<vmem>>, %arg9: memref<64x64xf32, #tpu.memory_space<vmem>>, %arg10: memref<64x64xf32, #tpu.memory_space<vmem>>, %arg11: memref<1x64xf32, #tpu.memory_space<vmem>>, %arg12: memref<1x64xf32, #tpu.memory_space<vmem>>, %arg13: memref<1000x80xf32, #tpu.memory_space<vmem>>, %arg14: memref<1000x80xf32, #tpu.memory_space<vmem>>, %arg15: memref<1000x80xf32, #tpu.memory_space<vmem>>, %arg16: memref<1000x80xf32, #tpu.memory_space<vmem>>) attributes {dimension_semantics = [#tpu.dimension_semantics<arbitrary>], iteration_bounds = array<i64: 10>, scalar_prefetch = 0 : i64, scratch_operands = 0 : i64, tpu.core_type = #tpu.core_type<tc>, window_params = [{transform_indices = @transform_0, window_bounds = array<i64: 2, 1000, 80>}, {transform_indices = @transform_1, window_bounds = array<i64: 2, 1000, 80>}, {transform_indices = @transform_2, window_bounds = array<i64: 1000, 64>}, {transform_indices = @transform_3, window_bounds = array<i64: 1000, 64>}, {pipeline_mode = #tpu.pipeline_mode<synchronous>, transform_indices = @transform_4, window_bounds = array<i64: 1, 64>}, {pipeline_mode = #tpu.pipeline_mode<synchronous>, transform_indices = @transform_5, window_bounds = array<i64: 1, 64>}, {pipeline_mode = #tpu.pipeline_mode<synchronous>, transform_indices = @transform_6, window_bounds = array<i64: 64, 64>}, {pipeline_mode = #tpu.pipeline_mode<synchronous>, transform_indices = @transform_7, window_bounds = array<i64: 64, 64>}, {pipeline_mode = #tpu.pipeline_mode<synchronous>, transform_indices = @transform_8, window_bounds = array<i64: 64, 64>}, {pipeline_mode = #tpu.pipeline_mode<synchronous>, transform_indices = @transform_9, window_bounds = array<i64: 64, 64>}, {pipeline_mode = #tpu.pipeline_mode<synchronous>, transform_indices = @transform_10, window_bounds = array<i64: 1, 64>}, {pipeline_mode = #tpu.pipeline_mode<synchronous>, transform_indices = @transform_11, window_bounds = array<i64: 1, 64>}, {transform_indices = @transform_12, window_bounds = array<i64: 1000, 80>}, {transform_indices = @transform_13, window_bounds = array<i64: 1000, 80>}, {transform_indices = @transform_14, window_bounds = array<i64: 1000, 80>}, {transform_indices = @transform_15, window_bounds = array<i64: 1000, 80>}]} {
    %get3A = arith.constant 0 : index
    %get3A_0 = arith.constant 0 : index
    %get3A_1 = arith.constant 0 : index
    %get3A_2 = vector.load %arg1[%get3A, %get3A_0, %get3A_1] : memref<2x1000x80xf32, #tpu.memory_space<vmem>>, vector<2x1000x80xf32>
    %get3A_3 = arith.constant 0 : index
    %get3A_4 = arith.constant 0 : index
    %get3A_5 = arith.constant 0 : index
    %get3A_6 = vector.load %arg2[%get3A_3, %get3A_4, %get3A_5] : memref<2x1000x80xf32, #tpu.memory_space<vmem>>, vector<2x1000x80xf32>
    %slice3A = vector.extract_strided_slice %get3A_2 {offsets = [0, 0, 0], sizes = [1, 1000, 80], strides = [1, 1, 1]} : vector<2x1000x80xf32> to vector<1x1000x80xf32>
    %squeeze3A = vector.shape_cast %slice3A : vector<1x1000x80xf32> to vector<1000x80xf32>
    %slice3A_7 = vector.extract_strided_slice %get3A_2 {offsets = [1, 0, 0], sizes = [1, 1000, 80], strides = [1, 1, 1]} : vector<2x1000x80xf32> to vector<1x1000x80xf32>
    %squeeze3A_8 = vector.shape_cast %slice3A_7 : vector<1x1000x80xf32> to vector<1000x80xf32>
    %add3A = arith.addf %squeeze3A, %squeeze3A_8 : vector<1000x80xf32>
    %slice3A_9 = vector.extract_strided_slice %get3A_6 {offsets = [0, 0, 0], sizes = [1, 1000, 80], strides = [1, 1, 1]} : vector<2x1000x80xf32> to vector<1x1000x80xf32>
    %squeeze3A_10 = vector.shape_cast %slice3A_9 : vector<1x1000x80xf32> to vector<1000x80xf32>
    %slice3A_11 = vector.extract_strided_slice %get3A_6 {offsets = [1, 0, 0], sizes = [1, 1000, 80], strides = [1, 1, 1]} : vector<2x1000x80xf32> to vector<1x1000x80xf32>
    %squeeze3A_12 = vector.shape_cast %slice3A_11 : vector<1x1000x80xf32> to vector<1000x80xf32>
    %add3A_13 = arith.addf %squeeze3A_10, %squeeze3A_12 : vector<1000x80xf32>
    %slice3A_14 = vector.extract_strided_slice %add3A {offsets = [0, 64], sizes = [1000, 1], strides = [1, 1]} : vector<1000x80xf32> to vector<1000x1xf32>
    %max3A = arith.constant 1.000000e+00 : f32
    %max3A_15 = vector.broadcast %max3A : f32 to vector<1000x1xf32>
    %max3A_16 = arith.maximumf %slice3A_14, %max3A_15 : vector<1000x1xf32>
    %div3A = arith.constant 1.000000e+00 : f32
    %div3A_17 = vector.broadcast %div3A : f32 to vector<1000x1xf32>
    %div3A_18 = arith.divf %div3A_17, %max3A_16 : vector<1000x1xf32>
    %slice3A_19 = vector.extract_strided_slice %add3A_13 {offsets = [0, 64], sizes = [1000, 1], strides = [1, 1]} : vector<1000x80xf32> to vector<1000x1xf32>
    %max3A_20 = arith.constant 1.000000e+00 : f32
    %max3A_21 = vector.broadcast %max3A_20 : f32 to vector<1000x1xf32>
    %max3A_22 = arith.maximumf %slice3A_19, %max3A_21 : vector<1000x1xf32>
    %div3A_23 = arith.constant 1.000000e+00 : f32
    %div3A_24 = vector.broadcast %div3A_23 : f32 to vector<1000x1xf32>
    %div3A_25 = arith.divf %div3A_24, %max3A_22 : vector<1000x1xf32>
    %slice3A_26 = vector.extract_strided_slice %add3A {offsets = [0, 0], sizes = [1000, 64], strides = [1, 1]} : vector<1000x80xf32> to vector<1000x64xf32>
    %mul3A = vector.broadcast %div3A_18 : vector<1000x1xf32> to vector<1000x64xf32>
    %mul3A_27 = arith.mulf %slice3A_26, %mul3A : vector<1000x64xf32>
    %get3A_28 = arith.constant 0 : index
    %get3A_29 = arith.constant 0 : index
    %get3A_30 = vector.load %arg3[%get3A_28, %get3A_29] : memref<1000x64xf32, #tpu.memory_space<vmem>>, vector<1000x64xf32>
    %add3A_31 = arith.addf %mul3A_27, %get3A_30 : vector<1000x64xf32>
    %get3A_32 = arith.constant 0 : index
    %get3A_33 = arith.constant 0 : index
    %get3A_34 = vector.load %arg5[%get3A_32, %get3A_33] : memref<1x64xf32, #tpu.memory_space<vmem>>, vector<1x64xf32>
    %add3A_35 = vector.broadcast %get3A_34 : vector<1x64xf32> to vector<1000x64xf32>
    %add3A_36 = arith.addf %add3A_31, %add3A_35 : vector<1000x64xf32>
    %max3A_37 = arith.constant 0.000000e+00 : f32
    %max3A_38 = vector.broadcast %max3A_37 : f32 to vector<1000x64xf32>
    %max3A_39 = arith.maximumf %add3A_36, %max3A_38 : vector<1000x64xf32>
    %slice3A_40 = vector.extract_strided_slice %add3A_13 {offsets = [0, 0], sizes = [1000, 64], strides = [1, 1]} : vector<1000x80xf32> to vector<1000x64xf32>
    %mul3A_41 = vector.broadcast %div3A_25 : vector<1000x1xf32> to vector<1000x64xf32>
    %mul3A_42 = arith.mulf %slice3A_40, %mul3A_41 : vector<1000x64xf32>
    %get3A_43 = arith.constant 0 : index
    %get3A_44 = arith.constant 0 : index
    %get3A_45 = vector.load %arg4[%get3A_43, %get3A_44] : memref<1000x64xf32, #tpu.memory_space<vmem>>, vector<1000x64xf32>
    %add3A_46 = arith.addf %mul3A_42, %get3A_45 : vector<1000x64xf32>
    %get3A_47 = arith.constant 0 : index
    %get3A_48 = arith.constant 0 : index
    %get3A_49 = vector.load %arg6[%get3A_47, %get3A_48] : memref<1x64xf32, #tpu.memory_space<vmem>>, vector<1x64xf32>
    %add3A_50 = vector.broadcast %get3A_49 : vector<1x64xf32> to vector<1000x64xf32>
    %add3A_51 = arith.addf %add3A_46, %add3A_50 : vector<1000x64xf32>
    %max3A_52 = arith.constant 0.000000e+00 : f32
    %max3A_53 = vector.broadcast %max3A_52 : f32 to vector<1000x64xf32>
    %max3A_54 = arith.maximumf %add3A_51, %max3A_53 : vector<1000x64xf32>
    %get3A_55 = arith.constant 0 : index
    %get3A_56 = arith.constant 0 : index
    %get3A_57 = vector.load %arg7[%get3A_55, %get3A_56] : memref<64x64xf32, #tpu.memory_space<vmem>>, vector<64x64xf32>
    %dot_general3A = arith.constant dense<0.000000e+00> : vector<1000x64xf32>
    %dot_general3A_58 = tpu.matmul %max3A_54, %get3A_57, %dot_general3A {dimension_numbers = #tpu.dot_dimension_numbers<[1], [0], [0], [1], [0, 0, 1, 1], [], []>, precision = #tpu.contract_precision<fp32>, transpose_lhs_hint = false} : vector<1000x64xf32>, vector<64x64xf32>, vector<1000x64xf32> -> vector<1000x64xf32>
    %broadcast_in_dim3A = arith.constant 0.000000e+00 : f32
    %broadcast_in_dim3A_59 = vector.broadcast %broadcast_in_dim3A : f32 to vector<1000x16xf32>
    %concatenate3A = tpu.concatenate %dot_general3A_58, %broadcast_in_dim3A_59 in 1 : vector<1000x64xf32>, vector<1000x16xf32> -> vector<1000x80xf32>
    %swap3A = arith.constant 0 : index
    %swap3A_60 = arith.constant 0 : index
    %swap3A_61 = vector.load %arg13[%swap3A, %swap3A_60] : memref<1000x80xf32, #tpu.memory_space<vmem>>, vector<1000x80xf32>
    tpu.vector_store %arg13[%swap3A, %swap3A_60], %concatenate3A {strides = array<i32>} : memref<1000x80xf32, #tpu.memory_space<vmem>>, vector<1000x80xf32>,
    %get3A_62 = arith.constant 0 : index
    %get3A_63 = arith.constant 0 : index
    %get3A_64 = vector.load %arg9[%get3A_62, %get3A_63] : memref<64x64xf32, #tpu.memory_space<vmem>>, vector<64x64xf32>
    %dot_general3A_65 = arith.constant dense<0.000000e+00> : vector<1000x64xf32>
    %dot_general3A_66 = tpu.matmul %max3A_39, %get3A_64, %dot_general3A_65 {dimension_numbers = #tpu.dot_dimension_numbers<[1], [0], [0], [1], [0, 0, 1, 1], [], []>, precision = #tpu.contract_precision<fp32>, transpose_lhs_hint = false} : vector<1000x64xf32>, vector<64x64xf32>, vector<1000x64xf32> -> vector<1000x64xf32>
    %broadcast_in_dim3A_67 = arith.constant 0.000000e+00 : f32
    %broadcast_in_dim3A_68 = vector.broadcast %broadcast_in_dim3A_67 : f32 to vector<1000x16xf32>
    %concatenate3A_69 = tpu.concatenate %dot_general3A_66, %broadcast_in_dim3A_68 in 1 : vector<1000x64xf32>, vector<1000x16xf32> -> vector<1000x80xf32>
    %swap3A_70 = arith.constant 0 : index
    %swap3A_71 = arith.constant 0 : index
    %swap3A_72 = vector.load %arg14[%swap3A_70, %swap3A_71] : memref<1000x80xf32, #tpu.memory_space<vmem>>, vector<1000x80xf32>
    tpu.vector_store %arg14[%swap3A_70, %swap3A_71], %concatenate3A_69 {strides = array<i32>} : memref<1000x80xf32, #tpu.memory_space<vmem>>, vector<1000x80xf32>,
    %get3A_73 = arith.constant 0 : index
    %get3A_74 = arith.constant 0 : index
    %get3A_75 = vector.load %arg8[%get3A_73, %get3A_74] : memref<64x64xf32, #tpu.memory_space<vmem>>, vector<64x64xf32>
    %dot_general3A_76 = arith.constant dense<0.000000e+00> : vector<1000x64xf32>
    %dot_general3A_77 = tpu.matmul %max3A_39, %get3A_75, %dot_general3A_76 {dimension_numbers = #tpu.dot_dimension_numbers<[1], [0], [0], [1], [0, 0, 1, 1], [], []>, precision = #tpu.contract_precision<fp32>, transpose_lhs_hint = false} : vector<1000x64xf32>, vector<64x64xf32>, vector<1000x64xf32> -> vector<1000x64xf32>
    %get3A_78 = arith.constant 0 : index
    %get3A_79 = arith.constant 0 : index
    %get3A_80 = vector.load %arg11[%get3A_78, %get3A_79] : memref<1x64xf32, #tpu.memory_space<vmem>>, vector<1x64xf32>
    %add3A_81 = vector.broadcast %get3A_80 : vector<1x64xf32> to vector<1000x64xf32>
    %add3A_82 = arith.addf %dot_general3A_77, %add3A_81 : vector<1000x64xf32>
    %broadcast_in_dim3A_83 = arith.constant 0.000000e+00 : f32
    %broadcast_in_dim3A_84 = vector.broadcast %broadcast_in_dim3A_83 : f32 to vector<1000x15xf32>
    %concatenate3A_85 = tpu.concatenate %add3A_82, %div3A_18, %broadcast_in_dim3A_84 in 1 : vector<1000x64xf32>, vector<1000x1xf32>, vector<1000x15xf32> -> vector<1000x80xf32>
    %swap3A_86 = arith.constant 0 : index
    %swap3A_87 = arith.constant 0 : index
    %swap3A_88 = vector.load %arg15[%swap3A_86, %swap3A_87] : memref<1000x80xf32, #tpu.memory_space<vmem>>, vector<1000x80xf32>
    tpu.vector_store %arg15[%swap3A_86, %swap3A_87], %concatenate3A_85 {strides = array<i32>} : memref<1000x80xf32, #tpu.memory_space<vmem>>, vector<1000x80xf32>,
    %get3A_89 = arith.constant 0 : index
    %get3A_90 = arith.constant 0 : index
    %get3A_91 = vector.load %arg10[%get3A_89, %get3A_90] : memref<64x64xf32, #tpu.memory_space<vmem>>, vector<64x64xf32>
    %dot_general3A_92 = arith.constant dense<0.000000e+00> : vector<1000x64xf32>
    %dot_general3A_93 = tpu.matmul %max3A_54, %get3A_91, %dot_general3A_92 {dimension_numbers = #tpu.dot_dimension_numbers<[1], [0], [0], [1], [0, 0, 1, 1], [], []>, precision = #tpu.contract_precision<fp32>, transpose_lhs_hint = false} : vector<1000x64xf32>, vector<64x64xf32>, vector<1000x64xf32> -> vector<1000x64xf32>
    %get3A_94 = arith.constant 0 : index
    %get3A_95 = arith.constant 0 : index
    %get3A_96 = vector.load %arg12[%get3A_94, %get3A_95] : memref<1x64xf32, #tpu.memory_space<vmem>>, vector<1x64xf32>
    %add3A_97 = vector.broadcast %get3A_96 : vector<1x64xf32> to vector<1000x64xf32>
    %add3A_98 = arith.addf %dot_general3A_93, %add3A_97 : vector<1000x64xf32>
    %broadcast_in_dim3A_99 = arith.constant 0.000000e+00 : f32
    %broadcast_in_dim3A_100 = vector.broadcast %broadcast_in_dim3A_99 : f32 to vector<1000x15xf32>
    %concatenate3A_101 = tpu.concatenate %add3A_98, %div3A_25, %broadcast_in_dim3A_100 in 1 : vector<1000x64xf32>, vector<1000x1xf32>, vector<1000x15xf32> -> vector<1000x80xf32>
    %swap3A_102 = arith.constant 0 : index
    %swap3A_103 = arith.constant 0 : index
    %swap3A_104 = vector.load %arg16[%swap3A_102, %swap3A_103] : memref<1000x80xf32, #tpu.memory_space<vmem>>, vector<1000x80xf32>
    tpu.vector_store %arg16[%swap3A_102, %swap3A_103], %concatenate3A_101 {strides = array<i32>} : memref<1000x80xf32, #tpu.memory_space<vmem>>, vector<1000x80xf32>,
    return
  }
  func.func @transform_0(%arg0: i32) -> (i32, i32, i32) {
    %c0_i32 = arith.constant 0 : i32
    %c0_i32_0 = arith.constant 0 : i32
    %c0_i32_1 = arith.constant 0 : i32
    return %c0_i32, %arg0, %c0_i32_0 : i32, i32, i32
  }
  func.func @transform_1(%arg0: i32) -> (i32, i32, i32) {
    %c0_i32 = arith.constant 0 : i32
    %c0_i32_0 = arith.constant 0 : i32
    %c0_i32_1 = arith.constant 0 : i32
    return %c0_i32, %arg0, %c0_i32_0 : i32, i32, i32
  }
  func.func @transform_2(%arg0: i32) -> (i32, i32) {
    %c0_i32 = arith.constant 0 : i32
    %c0_i32_0 = arith.constant 0 : i32
    return %arg0, %c0_i32 : i32, i32
  }
  func.func @transform_3(%arg0: i32) -> (i32, i32) {
    %c0_i32 = arith.constant 0 : i32
    %c0_i32_0 = arith.constant 0 : i32
    return %arg0, %c0_i32 : i32, i32
  }
  func.func @transform_4(%arg0: i32) -> (i32, i32) {
    %c0_i32 = arith.constant 0 : i32
    %c0_i32_0 = arith.constant 0 : i32
    %c0_i32_1 = arith.constant 0 : i32
    return %c0_i32, %c0_i32_0 : i32, i32
  }
  func.func @transform_5(%arg0: i32) -> (i32, i32) {
    %c0_i32 = arith.constant 0 : i32
    %c0_i32_0 = arith.constant 0 : i32
    %c0_i32_1 = arith.constant 0 : i32
    return %c0_i32, %c0_i32_0 : i32, i32
  }
  func.func @transform_6(%arg0: i32) -> (i32, i32) {
    %c0_i32 = arith.constant 0 : i32
    %c0_i32_0 = arith.constant 0 : i32
    %c0_i32_1 = arith.constant 0 : i32
    return %c0_i32, %c0_i32_0 : i32, i32
  }
  func.func @transform_7(%arg0: i32) -> (i32, i32) {
    %c0_i32 = arith.constant 0 : i32
    %c0_i32_0 = arith.constant 0 : i32
    %c0_i32_1 = arith.constant 0 : i32
    return %c0_i32, %c0_i32_0 : i32, i32
  }
  func.func @transform_8(%arg0: i32) -> (i32, i32) {
    %c0_i32 = arith.constant 0 : i32
    %c0_i32_0 = arith.constant 0 : i32
    %c0_i32_1 = arith.constant 0 : i32
    return %c0_i32, %c0_i32_0 : i32, i32
  }
  func.func @transform_9(%arg0: i32) -> (i32, i32) {
    %c0_i32 = arith.constant 0 : i32
    %c0_i32_0 = arith.constant 0 : i32
    %c0_i32_1 = arith.constant 0 : i32
    return %c0_i32, %c0_i32_0 : i32, i32
  }
  func.func @transform_10(%arg0: i32) -> (i32, i32) {
    %c0_i32 = arith.constant 0 : i32
    %c0_i32_0 = arith.constant 0 : i32
    %c0_i32_1 = arith.constant 0 : i32
    return %c0_i32, %c0_i32_0 : i32, i32
  }
  func.func @transform_11(%arg0: i32) -> (i32, i32) {
    %c0_i32 = arith.constant 0 : i32
    %c0_i32_0 = arith.constant 0 : i32
    %c0_i32_1 = arith.constant 0 : i32
    return %c0_i32, %c0_i32_0 : i32, i32
  }
  func.func @transform_12(%arg0: i32) -> (i32, i32) {
    %c0_i32 = arith.constant 0 : i32
    %c0_i32_0 = arith.constant 0 : i32
    return %arg0, %c0_i32 : i32, i32
  }
  func.func @transform_13(%arg0: i32) -> (i32, i32) {
    %c0_i32 = arith.constant 0 : i32
    %c0_i32_0 = arith.constant 0 : i32
    return %arg0, %c0_i32 : i32, i32
  }
  func.func @transform_14(%arg0: i32) -> (i32, i32) {
    %c0_i32 = arith.constant 0 : i32
    %c0_i32_0 = arith.constant 0 : i32
    return %arg0, %c0_i32 : i32, i32
  }
  func.func @transform_15(%arg0: i32) -> (i32, i32) {
    %c0_i32 = arith.constant 0 : i32
    %c0_i32_0 = arith.constant 0 : i32
    return %arg0, %c0_i32 : i32, i32
  }
}

module attributes {stable_mosaic.version = 14 : i64} {
  func.func @_tc3_body(%arg0: i32, %arg1: memref<2x1000x80xf32, #tpu.memory_space<vmem>>, %arg2: memref<2x1000x80xf32, #tpu.memory_space<vmem>>, %arg3: memref<1000x80xf32, #tpu.memory_space<vmem>>, %arg4: memref<1000x80xf32, #tpu.memory_space<vmem>>, %arg5: memref<1000x80xf32, #tpu.memory_space<vmem>>, %arg6: memref<1000x80xf32, #tpu.memory_space<vmem>>) attributes {dimension_semantics = [#tpu.dimension_semantics<arbitrary>], iteration_bounds = array<i64: 10>, scalar_prefetch = 0 : i64, scratch_operands = 0 : i64, tpu.core_type = #tpu.core_type<tc>, window_params = [{transform_indices = @transform_0, window_bounds = array<i64: 2, 1000, 80>}, {transform_indices = @transform_1, window_bounds = array<i64: 2, 1000, 80>}, {transform_indices = @transform_2, window_bounds = array<i64: 1000, 80>}, {transform_indices = @transform_3, window_bounds = array<i64: 1000, 80>}, {transform_indices = @transform_4, window_bounds = array<i64: 1000, 80>}, {transform_indices = @transform_5, window_bounds = array<i64: 1000, 80>}]} {
    %get3A = arith.constant 0 : index
    %get3A_0 = arith.constant 0 : index
    %get3A_1 = arith.constant 0 : index
    %get3A_2 = vector.load %arg1[%get3A, %get3A_0, %get3A_1] : memref<2x1000x80xf32, #tpu.memory_space<vmem>>, vector<2x1000x80xf32>
    %get3A_3 = arith.constant 0 : index
    %get3A_4 = arith.constant 0 : index
    %get3A_5 = arith.constant 0 : index
    %get3A_6 = vector.load %arg2[%get3A_3, %get3A_4, %get3A_5] : memref<2x1000x80xf32, #tpu.memory_space<vmem>>, vector<2x1000x80xf32>
    %slice3A = vector.extract_strided_slice %get3A_2 {offsets = [0, 0, 0], sizes = [1, 1000, 80], strides = [1, 1, 1]} : vector<2x1000x80xf32> to vector<1x1000x80xf32>
    %squeeze3A = vector.shape_cast %slice3A : vector<1x1000x80xf32> to vector<1000x80xf32>
    %slice3A_7 = vector.extract_strided_slice %get3A_2 {offsets = [1, 0, 0], sizes = [1, 1000, 80], strides = [1, 1, 1]} : vector<2x1000x80xf32> to vector<1x1000x80xf32>
    %squeeze3A_8 = vector.shape_cast %slice3A_7 : vector<1x1000x80xf32> to vector<1000x80xf32>
    %add3A = arith.addf %squeeze3A, %squeeze3A_8 : vector<1000x80xf32>
    %slice3A_9 = vector.extract_strided_slice %get3A_6 {offsets = [0, 0, 0], sizes = [1, 1000, 80], strides = [1, 1, 1]} : vector<2x1000x80xf32> to vector<1x1000x80xf32>
    %squeeze3A_10 = vector.shape_cast %slice3A_9 : vector<1x1000x80xf32> to vector<1000x80xf32>
    %slice3A_11 = vector.extract_strided_slice %get3A_6 {offsets = [1, 0, 0], sizes = [1, 1000, 80], strides = [1, 1, 1]} : vector<2x1000x80xf32> to vector<1x1000x80xf32>
    %squeeze3A_12 = vector.shape_cast %slice3A_11 : vector<1x1000x80xf32> to vector<1000x80xf32>
    %add3A_13 = arith.addf %squeeze3A_10, %squeeze3A_12 : vector<1000x80xf32>
    %get3A_14 = arith.constant 0 : index
    %get3A_15 = arith.constant 0 : index
    %get3A_16 = vector.load %arg3[%get3A_14, %get3A_15] : memref<1000x80xf32, #tpu.memory_space<vmem>>, vector<1000x80xf32>
    %get3A_17 = arith.constant 0 : index
    %get3A_18 = arith.constant 0 : index
    %get3A_19 = vector.load %arg4[%get3A_17, %get3A_18] : memref<1000x80xf32, #tpu.memory_space<vmem>>, vector<1000x80xf32>
    %slice3A_20 = vector.extract_strided_slice %add3A {offsets = [0, 0], sizes = [1000, 64], strides = [1, 1]} : vector<1000x80xf32> to vector<1000x64xf32>
    %slice3A_21 = vector.extract_strided_slice %get3A_16 {offsets = [0, 64], sizes = [1000, 1], strides = [1, 1]} : vector<1000x80xf32> to vector<1000x1xf32>
    %mul3A = vector.broadcast %slice3A_21 : vector<1000x1xf32> to vector<1000x64xf32>
    %mul3A_22 = arith.mulf %slice3A_20, %mul3A : vector<1000x64xf32>
    %slice3A_23 = vector.extract_strided_slice %get3A_16 {offsets = [0, 0], sizes = [1000, 64], strides = [1, 1]} : vector<1000x80xf32> to vector<1000x64xf32>
    %add3A_24 = arith.addf %mul3A_22, %slice3A_23 : vector<1000x64xf32>
    %slice3A_25 = vector.extract_strided_slice %add3A_13 {offsets = [0, 0], sizes = [1000, 64], strides = [1, 1]} : vector<1000x80xf32> to vector<1000x64xf32>
    %slice3A_26 = vector.extract_strided_slice %get3A_19 {offsets = [0, 64], sizes = [1000, 1], strides = [1, 1]} : vector<1000x80xf32> to vector<1000x1xf32>
    %mul3A_27 = vector.broadcast %slice3A_26 : vector<1000x1xf32> to vector<1000x64xf32>
    %mul3A_28 = arith.mulf %slice3A_25, %mul3A_27 : vector<1000x64xf32>
    %slice3A_29 = vector.extract_strided_slice %get3A_19 {offsets = [0, 0], sizes = [1000, 64], strides = [1, 1]} : vector<1000x80xf32> to vector<1000x64xf32>
    %add3A_30 = arith.addf %mul3A_28, %slice3A_29 : vector<1000x64xf32>
    %broadcast_in_dim3A = arith.constant 0.000000e+00 : f32
    %broadcast_in_dim3A_31 = vector.broadcast %broadcast_in_dim3A : f32 to vector<1000x16xf32>
    %concatenate3A = tpu.concatenate %add3A_24, %broadcast_in_dim3A_31 in 1 : vector<1000x64xf32>, vector<1000x16xf32> -> vector<1000x80xf32>
    %swap3A = arith.constant 0 : index
    %swap3A_32 = arith.constant 0 : index
    %swap3A_33 = vector.load %arg5[%swap3A, %swap3A_32] : memref<1000x80xf32, #tpu.memory_space<vmem>>, vector<1000x80xf32>
    tpu.vector_store %arg5[%swap3A, %swap3A_32], %concatenate3A {strides = array<i32>} : memref<1000x80xf32, #tpu.memory_space<vmem>>, vector<1000x80xf32>,
    %broadcast_in_dim3A_34 = arith.constant 0.000000e+00 : f32
    %broadcast_in_dim3A_35 = vector.broadcast %broadcast_in_dim3A_34 : f32 to vector<1000x16xf32>
    %concatenate3A_36 = tpu.concatenate %add3A_30, %broadcast_in_dim3A_35 in 1 : vector<1000x64xf32>, vector<1000x16xf32> -> vector<1000x80xf32>
    %swap3A_37 = arith.constant 0 : index
    %swap3A_38 = arith.constant 0 : index
    %swap3A_39 = vector.load %arg6[%swap3A_37, %swap3A_38] : memref<1000x80xf32, #tpu.memory_space<vmem>>, vector<1000x80xf32>
    tpu.vector_store %arg6[%swap3A_37, %swap3A_38], %concatenate3A_36 {strides = array<i32>} : memref<1000x80xf32, #tpu.memory_space<vmem>>, vector<1000x80xf32>,
    return
  }
  func.func @transform_0(%arg0: i32) -> (i32, i32, i32) {
    %c0_i32 = arith.constant 0 : i32
    %c0_i32_0 = arith.constant 0 : i32
    %c0_i32_1 = arith.constant 0 : i32
    return %c0_i32, %arg0, %c0_i32_0 : i32, i32, i32
  }
  func.func @transform_1(%arg0: i32) -> (i32, i32, i32) {
    %c0_i32 = arith.constant 0 : i32
    %c0_i32_0 = arith.constant 0 : i32
    %c0_i32_1 = arith.constant 0 : i32
    return %c0_i32, %arg0, %c0_i32_0 : i32, i32, i32
  }
  func.func @transform_2(%arg0: i32) -> (i32, i32) {
    %c0_i32 = arith.constant 0 : i32
    %c0_i32_0 = arith.constant 0 : i32
    return %arg0, %c0_i32 : i32, i32
  }
  func.func @transform_3(%arg0: i32) -> (i32, i32) {
    %c0_i32 = arith.constant 0 : i32
    %c0_i32_0 = arith.constant 0 : i32
    return %arg0, %c0_i32 : i32, i32
  }
  func.func @transform_4(%arg0: i32) -> (i32, i32) {
    %c0_i32 = arith.constant 0 : i32
    %c0_i32_0 = arith.constant 0 : i32
    return %arg0, %c0_i32 : i32, i32
  }
  func.func @transform_5(%arg0: i32) -> (i32, i32) {
    %c0_i32 = arith.constant 0 : i32
    %c0_i32_0 = arith.constant 0 : i32
    return %arg0, %c0_i32 : i32, i32
  }
}

module attributes {stable_mosaic.version = 14 : i64} {
  func.func @_tcdot_body(%arg0: i32, %arg1: memref<2000x80xf32, #tpu.memory_space<vmem>>, %arg2: memref<2000x80xf32, #tpu.memory_space<vmem>>, %arg3: memref<2000x1xf32, #tpu.memory_space<vmem>>) attributes {dimension_semantics = [#tpu.dimension_semantics<arbitrary>], iteration_bounds = array<i64: 50>, scalar_prefetch = 0 : i64, scratch_operands = 0 : i64, tpu.core_type = #tpu.core_type<tc>, window_params = [{transform_indices = @transform_0, window_bounds = array<i64: 2000, 80>}, {transform_indices = @transform_1, window_bounds = array<i64: 2000, 80>}, {transform_indices = @transform_2, window_bounds = array<i64: 2000, 1>}]} {
    %get3A = arith.constant 0 : index
    %get3A_0 = arith.constant 0 : index
    %get3A_1 = vector.load %arg1[%get3A, %get3A_0] : memref<2000x80xf32, #tpu.memory_space<vmem>>, vector<2000x80xf32>
    %get3A_2 = arith.constant 0 : index
    %get3A_3 = arith.constant 0 : index
    %get3A_4 = vector.load %arg2[%get3A_2, %get3A_3] : memref<2000x80xf32, #tpu.memory_space<vmem>>, vector<2000x80xf32>
    %slice3A = vector.extract_strided_slice %get3A_1 {offsets = [0, 0], sizes = [2000, 64], strides = [1, 1]} : vector<2000x80xf32> to vector<2000x64xf32>
    %slice3A_5 = vector.extract_strided_slice %get3A_4 {offsets = [0, 0], sizes = [2000, 64], strides = [1, 1]} : vector<2000x80xf32> to vector<2000x64xf32>
    %mul3A = arith.mulf %slice3A, %slice3A_5 : vector<2000x64xf32>
    %reduce_sum3A = arith.constant dense<0.000000e+00> : vector<2000xf32>
    %reduce_sum3A_6 = vector.multi_reduction <add>, %mul3A, %reduce_sum3A [1] : vector<2000x64xf32> to vector<2000xf32>
    %broadcast_in_dim3A = vector.shape_cast %reduce_sum3A_6 : vector<2000xf32> to vector<2000x1xf32>
    %swap3A = arith.constant 0 : index
    %swap3A_7 = arith.constant 0 : index
    %swap3A_8 = vector.load %arg3[%swap3A, %swap3A_7] : memref<2000x1xf32, #tpu.memory_space<vmem>>, vector<2000x1xf32>
    tpu.vector_store %arg3[%swap3A, %swap3A_7], %broadcast_in_dim3A {strides = array<i32>} : memref<2000x1xf32, #tpu.memory_space<vmem>>, vector<2000x1xf32>,
    return
  }
  func.func @transform_0(%arg0: i32) -> (i32, i32) {
    %c0_i32 = arith.constant 0 : i32
    %c0_i32_0 = arith.constant 0 : i32
    return %arg0, %c0_i32 : i32, i32
  }
  func.func @transform_1(%arg0: i32) -> (i32, i32) {
    %c0_i32 = arith.constant 0 : i32
    %c0_i32_0 = arith.constant 0 : i32
    return %arg0, %c0_i32 : i32, i32
  }
  func.func @transform_2(%arg0: i32) -> (i32, i32) {
    %c0_i32 = arith.constant 0 : i32
    %c0_i32_0 = arith.constant 0 : i32
    return %arg0, %c0_i32 : i32, i32
  }
}

</mosaic_0001>

<sc_bundles>
// kernel: kernel.12.cloned.1.call-start
scs
__scs_entry_jumppad:
0x0: {  	(pc) =	sbr.rel $0x88, $3  }
0x1: {  	(tag) =	ssettag $0x0;
	lr =	simm.s32 $0x1  }
0x2: {  	[smem:$0x3F90] =	sst lr;
	_ =	strace $0xD0000000  }
0x3: {  	_ = 	snop  }
0x4: {  	_ = 	snop  }
0x5: {  	_ = 	snop  }
0x6: {  	_ = 	snop  }
0x7: {  	_ = 	snop  }
__scs_overlays_trampoline_lowered:
0x8: {  	[smem:$0x3F9F] =	sst s0  }
0x9: {  	[smem:$0x3FA0] =	sst s1  }
0xa: {  	[smem:$0x3FA1] =	sst s2  }
0xb: {  	[smem:$0x3FA2] =	sst s3  }
0xc: {  	[smem:$0x3FA3] =	sst s4  }
0xd: {  	[smem:$0x3FA4] =	sst s5  }
0xe: {  	[smem:$0x3FA5] =	sst s6  }
0xf: {  	[smem:$0x3FA6] =	sst s7  }
0x10: {  	[smem:$0x3FA7] =	sst s8  }
0x11: {  	[smem:$0x3FA8] =	sst s9;
	s0 =	simm.s32 @!p0 $0x0  }
0x12: {  	s1 =	sld [smem:$0x3F8E];
	s0 =	simm.s32 @p0 $0x1  }
0x13: {  	[smem:$0x3FA9] =	sst s0;
	s0 =	simm.s32 @!p1 $0x0  }
0x14: {  	s2 =	sld [smem:$0x3F8D];
	s0 =	simm.s32 @p1 $0x1  }
0x15: {  	[smem:$0x3FAA] =	sst s0;
	s0 =	simm.s32 @!p2 $0x0  }
0x16: {  	s3 =	sld [smem:$0x3FDB];
	s0 =	simm.s32 @p2 $0x1  }
0x17: {  	s4 =	simm.s32 $0x1BF5;
	[smem:$0x3FAC] =	sst s0  }
0x18: {  	s0 =	sld [smem:$0x3F8F];
	_ =	swait.ge [sflag:s4], $0x0  }
0x19: {  	s7 =	sld [smem:$0x3F90]  }
0x1a: {  	s8 =	sadd.s32 $0xFFFFE003, lr  }
0x1b: {  	s9 =	sadd.s32 $0xFFFFFEF7, lr;
	s5 =	simm.s32 $0xFFFFFFFF;
	p2 =	slt.u32 s8, $0xFFFFF086  }
0x1c: {  	p1 =	slt.u32 s9, $0xF7A;
	s5 =	simm.s32 @!p2 $0x0  }
0x1d: {  	s5 =	simm.s32 @p1 $0x1;
	p0 =	seq.s32 s7, s2  }
0x1e: {  	s7 =	smul.u32 @!p0 $0xF7A, s2;
	p2 =	seq.s32 @!p0 s5, $0x0  }
0x1f: {  	s9 =	smul.u32 $0xF7A, s1;
	s8 =	simm.s32 @!p0 $0x1BF5;
	p2 =	por !p2, p0  }
0x20: {  	[sflag:s8] =	ssyncset.s32 @!p0 $0xFFFFF086;
	s6 =	sadd.s32 @!p0 s3, s7;
	s7 =	simm.s32 @!p0 $0x108  }
0x21: {  	s3 =	sadd.s32 s3, s9;
	s6 =	sadd.s32 @!p0 $0x88, s6;
	s7 =	simm.s32 @p2 $0x1082  }
0x22: {  	[simem:s7], [sflag:s8] =	dma.local @!p0 [hbm:s6], $0xF7A  }
0x23: {  	s9 =	sor.u32 $0xD0000000, s2;
	s6 =	simm.s32 $0x108;
	_ =	swait.ge @!p0 [sflag:s8], $0x0  }
0x24: {  	s3 =	sadd.s32 $0x88, s3;
	s6 =	simm.s32 @!p1 $0x1082;
	[sflag:s4] =	ssyncset.s32 $0xFFFFF086  }
0x25: {  	[simem:s6], [sflag:s4] =	dma.local [hbm:s3], $0xF7A  }
0x26: {  	[smem:$0x3F90] =	sst s1;
	(tag) =	ssettag s2;
	_ =	strace s9  }
0x27: {  	s1 =	sld [smem:$0x3FA0]  }
0x28: {  	s2 =	sld [smem:$0x3FA1]  }
0x29: {  	s4 =	sld [smem:$0x3FA3]  }
0x2a: {  	p0 =	seq.s32 s5, $0x0;
	s5 =	sld [smem:$0x3FA4]  }
0x2b: {  	s6 =	sld [smem:$0x3FA5]  }
0x2c: {  	s7 =	sld [smem:$0x3FA6]  }
0x2d: {  	s3 =	simm.s32 $0x108;
	s8 =	sld [smem:$0x3FA7]  }
0x2e: {  	s3 =	simm.s32 @!p0 $0x1082;
	s9 =	sld [smem:$0x3FA8]  }
0x2f: {  	lr =	sadd.s32 s0, s3;
	s0 =	sld [smem:$0x3F9F]  }
0x30: {  	s3 =	sld [smem:$0x3FA2]  }
0x31: {  	[smem:$0x3FAB] =	sst s10  }
0x32: {  	s10 =	sld [smem:$0x3FA9];
	_ =	sdelay $0x3  }
0x33: {  	p0 =	seq.s32 s10, $0x1;
	s10 =	sld [smem:$0x3FAB];
	_ =	sdelay $0x3  }
0x34: {  	[smem:$0x3FAB] =	sst s10  }
0x35: {  	s10 =	sld [smem:$0x3FAA];
	_ =	sdelay $0x3  }
0x36: {  	p1 =	seq.s32 s10, $0x1;
	s10 =	sld [smem:$0x3FAB];
	_ =	sdelay $0x3  }
0x37: {  	[smem:$0x3FAB] =	sst s10  }
0x38: {  	s10 =	sld [smem:$0x3FAC]  }
0x39: {  	_ = 	snop;
	(pc) =	sbr.ind lr, $3  }
0x3a: {  	_ = 	snop  }
0x3b: {  	_ = 	snop  }
0x3c: {  	p2 =	seq.s32 s10, $0x1;
	s10 =	sld [smem:$0x3FAB]  }
0x3d: {  	_ =	shalt  }
0x3e: {  	_ =	shalt  }
0x3f: {  	_ =	shalt  }
0x40: {  	_ =	shalt  }
0x41: {  	_ =	shalt  }
0x42: {  	_ =	shalt  }
0x43: {  	_ =	shalt  }
0x44: {  	_ =	shalt  }
0x45: {  	_ =	shalt  }
0x46: {  	_ =	shalt  }
0x47: {  	_ =	shalt  }
0x48: {  	_ =	shalt  }
0x49: {  	_ =	shalt  }
0x4a: {  	_ =	shalt  }
0x4b: {  	_ =	shalt  }
0x4c: {  	_ =	shalt  }
0x4d: {  	_ =	shalt  }
0x4e: {  	_ =	shalt  }
0x4f: {  	_ =	shalt  }
0x50: {  	_ =	shalt  }
0x51: {  	_ =	shalt  }
0x52: {  	_ =	shalt  }
0x53: {  	_ =	shalt  }
0x54: {  	_ =	shalt  }
0x55: {  	_ =	shalt  }
0x56: {  	_ =	shalt  }
0x57: {  	_ =	shalt  }
0x58: {  	_ =	shalt  }
0x59: {  	_ =	shalt  }
0x5a: {  	_ =	shalt  }
0x5b: {  	_ =	shalt  }
0x5c: {  	_ =	shalt  }
0x5d: {  	_ =	shalt  }
0x5e: {  	_ =	shalt  }
0x5f: {  	_ =	shalt  }
0x60: {  	_ =	shalt  }
0x61: {  	_ =	shalt  }
0x62: {  	_ =	shalt  }
0x63: {  	_ =	shalt  }
0x64: {  	_ =	shalt  }
0x65: {  	_ =	shalt  }
0x66: {  	_ =	shalt  }
0x67: {  	_ =	shalt  }
0x68: {  	_ =	shalt  }
0x69: {  	_ =	shalt  }
0x6a: {  	_ =	shalt  }
0x6b: {  	_ =	shalt  }
0x6c: {  	_ =	shalt  }
0x6d: {  	_ =	shalt  }
0x6e: {  	_ =	shalt  }
0x6f: {  	_ =	shalt  }
0x70: {  	_ =	shalt  }
0x71: {  	_ =	shalt  }
0x72: {  	_ =	shalt  }
0x73: {  	_ =	shalt  }
0x74: {  	_ =	shalt  }
0x75: {  	_ =	shalt  }
0x76: {  	_ =	shalt  }
0x77: {  	_ =	shalt  }
0x78: {  	_ =	shalt  }
0x79: {  	_ =	shalt  }
0x7a: {  	_ =	shalt  }
0x7b: {  	_ =	shalt  }
0x7c: {  	_ =	shalt  }
0x7d: {  	_ =	shalt  }
0x7e: {  	_ =	shalt  }
0x7f: {  	_ =	shalt  }
0x80: {  	_ =	shalt  }
0x81: {  	_ =	shalt  }
0x82: {  	_ =	shalt  }
0x83: {  	_ =	shalt  }
0x84: {  	_ =	shalt  }
0x85: {  	_ =	shalt  }
0x86: {  	_ =	shalt  }
0x87: {  	_ =	shalt  }
.Lfunc_end0:
.L_simem_size_0:
called_computation.1_lowered:
.L_overlay_start_0:
0x88: {  	s2 =	sld [smem:$0x3FD9]  }
0x89: {  	s3 =	sld [smem:$0x3FFE];
	_ =	sdelay $0x1  }
0x8a: {  	s1 =	srdreg.scid  }
0x8b: {  	s0 =	sand.u32 $0x1, s1  }
0x8c: {  	s16 =	sshll.u32 s0, $0xA;
	s2 =	sadd.s32 s3, s2  }
0x8d: {  	s2 =	sadd.s32 s2, s16  }
0x8e: {  	[smem:$0x3FB7] =	sst s2  }
0x8f: {  	_ = 	snop  }
0x90: {  	(tm) =	ssettm $0x1  }
0x91: {  	s17 =	sld [smem:$0x3FFB];
	_ =	sdelay $0x3  }
0x92: {  	_ =	strace s17  }
0x93: {  	s2 =	sld [smem:$0x3FFC];
	_ =	sdelay $0x3  }
0x94: {  	_ =	strace s2  }
0x95: {  	s2 =	sld [smem:$0x3FFD];
	_ =	sdelay $0x3  }
0x96: {  	_ =	strace s2  }
0x97: {  	_ =	strace $0x8FFFFFFF  }
0x98: {  	s18 =	sld [smem:$0x3FDB];
	_ =	sdelay $0x1  }
0x99: {  	s19 =	simm.s32 $_scs_section_size  }
0x9a: {  	s4 =	simm.s32 $_size__tile_overlayer_lowered;
	s5 =	simm.s32 $_tile_overlayer_lowered  }
0x9b: {  	s22 =	simm.s32 $0x1BFF;
	s21 =	sshll.u32 s5, $0x1;
	s2 =	sadd.s32 s19, s18  }
0x9c: {  	s6 =	simm.s32 $0x0;
	s20 =	sshll.u32 s4, $0x1;
	s4 =	sadd.s32 s21, s2  }
0x9d: {  	[timem:s6], [sflag:s22] =	dma.local [hbm:s4], s20  }
0x9e: {  	_ =	swait.ge [sflag:s22], s20  }
0x9f: {  	s3 =	ssub.s32 $0x0, s20;
	[sflag:s22] =	ssyncset.done $0x0  }
0xa0: {  	[sflag:s22] =	ssyncadd.s32 s3;
	_ =	sdelay $0x1  }
0xa1: {  	s23 =	simm.s32 $0x1B8B  }
0xa2: {  	_ =	swait.ge [sflag:s23], $0x1  }
0xa3: {  	[sflag:s23] =	ssyncset.done $0x0  }
0xa4: {  	s25 =	simm.s32 $0x1B8E;
	s24 =	sld [smem:$0x3FFE];
	[sflag:s23] =	ssyncadd.s32 $0xFFFFFFFF  }
0xa5: {  	s26 =	simm.s32 $execute0_lowered;
	[smem:$0x3FD2] =	sst s25  }
0xa6: {  	s4 =	sshll.u32 s26, $0x1;
	_ =	strace $0x80000049;
	[dreg:$0x1] =	wrdreg $0xFFFFFFFF  }
0xa7: {  	s28 =	simm.s32 $_size_execute0_lowered;
	s2 =	sadd.s32 s2, s4;
	[dreg:$0x0] =	wrdreg $0x0  }
0xa8: {  	s4 =	sshll.u32 s28, $0x1;
	[dreg:$0x2] =	wrdreg s2  }
0xa9: {  	[dreg:$0x3] =	wrdreg s4  }
0xaa: {  	[dreg:$0x4] =	wrdreg $0xC0  }
0xab: {  	_ =	task [dreg:s6], $0x5FFFF  }
0xac: {  	[dreg:$0x1] =	wrdreg $0xFFFFFFFF  }
0xad: {  	[dreg:$0x0] =	wrdreg $0x60  }
0xae: {  	[dreg:$0x2] =	wrdreg s24  }
0xaf: {  	[dreg:$0x3] =	wrdreg $0xCB200  }
0xb0: {  	[dreg:$0x4] =	wrdreg $0x9  }
0xb1: {  	_ =	task.clear_ibuf [dreg:s6], $0x5FFFF;
	_ =	strace $0x90000049  }
0xb2: {  	s29 =	simm.s32 $0x9;
	_ =	strace $0x8000004B  }
0xb3: {  	_ =	swait.ge [sflag:s29], $0x1  }
0xb4: {  	[sflag:s29] =	ssyncadd.s32 $0xFFFFFFFF  }
0xb5: {  	_ =	strace $0x9000004B  }
0xb6: {  	_ =	sfence  }
0xb7: {  	s30 =	sld [smem:$0x0];
	_ =	sdelay $0x2  }
0xb8: {  	s31 =	sshll.u32 s1, $0xD;
	s1 =	sshrl.u32 s1, $0x2  }
0xb9: {  	s3 =	sand.u32 $0x4000, s31;
	s1 =	sadd.s32 s1, s30  }
0xba: {  	s0 =	sor.u32 s3, s0;
	s1 =	sshll.u32 s1, $0x11  }
0xbb: {  	s0 =	sor.u32 s1, s0  }
0xbc: {  	s0 =	sadd.s32 $0x8F2B, s0  }
0xbd: {  	[sflag:s0] =	ssyncadd.remote.s32 $0x1  }
0xbe: {  	_ =	sfence.sel $0xFFFF  }
0xbf: {  	[dreg:$0x0] =	wrdreg $0xFFFFFFFF;
	(pc) =	sbr.abs _section_cstart, $3  }
0xc0: {  	[dreg:$0x1] =	wrdreg $0xFFFFFFFF  }
0xc1: {  	_ =	task.clear_ibuf [dreg:s6], $0x2FFFF;
	_ =	strace $0x9FFFFFFF  }
0xc2: {  	(tm) =	ssettm $0x7FFFFFFF  }
0xc3: {  	_ =	shalt  }
tec
execute0_lowered:
.L_overlay_start_1:
0x0: {  	(tag) =	ssettag $0x1  }
0x1: {  	s1 =	srdreg.scid;
	s7 =	rddreg [dreg:$0x0]  }
0x2: {  	s0 =	stileid.u32;
	s2 =	rddreg [dreg:$0x1]  }
0x3: {  	s3 =	simm.s32 $0x0;
	s15 =	simm.s32 $0x2710;
	s18 =	simm.s32 $0x190  }
0x4: {  	s19 =	simm.s32 $0x4E20;
	s20 =	simm.s32 $0x1;
	s21 =	simm.s32 $0x0  }
0x5: {  	s6 =	sand.u32 $0x1, s1;
	s29 =	sshll.u32 s0, $0x1;
	s9 =	smul.u32 $0xC800, s0  }
0x6: {  	[smem:$0x7FF] =	sst s3;
	s4 =	sadd.s32 $0x29200, s7;
	s5 =	sadd.s32 $0x41A00, s7  }
0x7: {  	s16 =	sshll.u32 s0, $0x6;
	s1 =	sor.u32 s6, s29;
	s10 =	smul.u32 $0xC8000, s6  }
0x8: {  	s6 =	ssub.s32 $0x2, s6;
	s16 =	sor.u32 $0x1C02, s16;
	s8 =	smul.u32 $0x4E2, s1  }
0x9: {  	s1 =	rddreg [dreg:$0x2];
	_ =	strace $0x8000004A;
	s31 =	sshrl.u32 s9, $0x3  }
0xa: {  	s12 =	sshrl.u32 s6, $0x1;
	s17 =	sadd.s32 s9, s2;
	s30 =	sadd.s32 s9, s10  }
0xb: {  	s10 =	sadd.s32 s31, s7;
	s11 =	sadd.s32 s8, s7;
	s8 =	sshrl.u32 s30, $0x3  }
0xc: {  	s14 =	ssub.s32 s6, s12;
	s17 =	sshrl.u32 s17, $0x3;
	s13 =	sadd.s32 s8, s7  }
0xd: {  	s6 =	sadd.s32 $0xB800, s11;
	s7 =	sadd.s32 $0x1A00, s11;
	s8 =	sadd.s32 $0xA8600, s10  }
0xe: {  	s10 =	sadd.s32 $0x1F400, s11;
	s11 =	sadd.s32 $0x15600, s11;
	s9 =	sadd.s32 $0xC1600, s13  }
0xf: {  	s12 =	sadd.s32 $0x5A200, s13;
	s13 =	smax.u32 s14, $0x1;
	s14 =	simm.s32 $0x2  }
.LBB2_1:
0x10: {  	[tilespmem:s3], [sflag:$0x2] =	stream.linear.gather [hbm4b:s6+s3], $0x2710, $0x38;
	[tilespmem:$0x19320] =	vst v63  }
0x11: {  	_ =	swait.ge [sflag:s14], $0x2710  }
0x12: {  	[sflag:s14] =	ssyncset.done $0x0  }
0x13: {  	[sflag:s14] =	ssyncadd.s32 $0xFFFFD8F0  }
0x14: {  	[tilespmem:s15], [sflag:$0x2] =	stream.linear.gather [hbm4b:s7+s3], $0x2710, $0x38;
	[tilespmem:$0x19320] =	vst v63  }
0x15: {  	_ =	swait.ge [sflag:s14], $0x2710  }
0x16: {  	[sflag:s14] =	ssyncset.done $0x0  }
0x17: {  	[sflag:s14] =	ssyncadd.s32 $0xFFFFD8F0  }
0x18: {  	[spmem:s17], [sflag:s16] =	dma.local [hbm:s8], $0x1900  }
0x19: {  	_ =	swait.ge [sflag:s14], $0x1900  }
0x1a: {  	[sflag:s14] =	ssyncset.done $0x0  }
0x1b: {  	[sflag:s14] =	ssyncadd.s32 $0xFFFFE700  }
0x1c: {  	s22 =	simm.s32 $0x0;
	[bflag:$0x0] =	sbarrier.arrive $0xFFFF  }
0x1d: {  	[tilespmem:s19], [sflag:$0x1] =	stream.indirect.gather [hbm4b:s4+s18], $0x50, s22, s18, $0xb8;
	[tilespmem:$0x19320] =	vst v63  }
0x1e: {  	_ =	swait.ge [sflag:s20], $0x7D00  }
0x1f: {  	[sflag:s20] =	ssyncset.done $0x0  }
0x20: {  	s31 =	simm.s32 $0x2710;
	[sflag:s20] =	ssyncadd.s32 $0xFFFF8300  }
0x21: {  	[spmem:s2] =	stream.indirect.scatter.add.f32 [tilespmem:s19], [sflag:$0x2], $0x50, s31, s18, $0xb8;
	[tilespmem:$0x19320] =	vst v63  }
0x22: {  	_ =	swait.ge [sflag:s14], $0x7D00  }
0x23: {  	s23 =	simm.s32 $0xC80;
	s22 =	simm.s32 $0x640;
	[sflag:s14] =	ssyncset.done $0x0  }
.LBB2_2:
0x24: {  	s24 =	sshra.s32 s22, $0x2  }
0x25: {  	[sflag:s14] =	ssyncadd.s32 $0xFFFF8300;
	s22 =	smov.u32 s23;
	s25 =	sadd.s32 $0x640, s23  }
0x26: {  	[tilespmem:s19], [sflag:$0x1] =	stream.indirect.gather [hbm4b:s4+s18], $0x50, s24, s18, $0xb8;
	[tilespmem:$0x19320] =	vst v63  }
0x27: {  	p0 =	sne.s32 s23, $0x9600;
	_ =	swait.ge [sflag:s20], $0x7D00  }
.Ltmp0:
0x28: {  	[sflag:s20] =	ssyncset.done $0x0;
	(pc) =	sbr.rel @p0 .LBB2_2-.Ltmp0, $4  }
0x29: {  	s23 =	sadd.s32 $0x2710, s24;
	[sflag:s20] =	ssyncadd.s32 $0xFFFF8300  }
0x2a: {  	[spmem:s2] =	stream.indirect.scatter.add.f32 [tilespmem:s19], [sflag:$0x2], $0x50, s23, s18, $0xb8;
	[tilespmem:$0x19320] =	vst v63  }
0x2b: {  	_ =	swait.ge [sflag:s14], $0x7D00  }
0x2c: {  	s23 =	smov.u32 s25;
	[sflag:s14] =	ssyncset.done $0x0  }
0x2d: {  	s22 =	sshra.s32 s22, $0x2;
	[sflag:s14] =	ssyncadd.s32 $0xFFFF8300  }
0x2e: {  	[tilespmem:s19], [sflag:$0x1] =	stream.indirect.gather [hbm4b:s4+s18], $0x50, s22, s18, $0xb8;
	[tilespmem:$0x19320] =	vst v63  }
0x2f: {  	_ =	swait.ge [sflag:s20], $0x7D00  }
0x30: {  	[sflag:s20] =	ssyncset.done $0x0  }
0x31: {  	s22 =	sadd.s32 $0x2710, s22;
	[sflag:s20] =	ssyncadd.s32 $0xFFFF8300  }
0x32: {  	[spmem:s2] =	stream.indirect.scatter.add.f32 [tilespmem:s19], [sflag:$0x2], $0x50, s22, s18, $0xb8;
	[tilespmem:$0x19320] =	vst v63  }
0x33: {  	_ =	swait.ge [sflag:s14], $0x7D00  }
0x34: {  	[sflag:s14] =	ssyncset.done $0x0  }
0x35: {  	[sflag:s14] =	ssyncadd.s32 $0xFFFF8300  }
0x36: {  	[bflag:$0x0] =	sbarrier.arrive $0xFFFF  }
0x37: {  	[hbm:s9], [sflag:s16] =	dma.local [spmem:s17], $0x1900  }
0x38: {  	_ =	swait.ge [sflag:s14], $0x1900  }
0x39: {  	[sflag:s14] =	ssyncset.done $0x0  }
0x3a: {  	[sflag:s14] =	ssyncadd.s32 $0xFFFFE700  }
0x3b: {  	s29 =	simm.s32 $0x0;
	[bflag:$0x0] =	sbarrier.arrive $0xFFFF  }
0x3c: {  	[tilespmem:s29], [sflag:$0x2] =	stream.linear.gather [hbm4b:s10+s29], $0x2710, $0x38;
	[tilespmem:$0x19320] =	vst v63  }
0x3d: {  	_ =	swait.ge [sflag:s14], $0x2710  }
0x3e: {  	[sflag:s14] =	ssyncset.done $0x0  }
0x3f: {  	[sflag:s14] =	ssyncadd.s32 $0xFFFFD8F0  }
0x40: {  	[tilespmem:s15], [sflag:$0x2] =	stream.linear.gather [hbm4b:s11+s29], $0x2710, $0x38;
	[tilespmem:$0x19320] =	vst v63  }
0x41: {  	_ =	swait.ge [sflag:s14], $0x2710  }
0x42: {  	[sflag:s14] =	ssyncset.done $0x0  }
0x43: {  	[sflag:s14] =	ssyncadd.s32 $0xFFFFD8F0  }
0x44: {  	[spmem:s17], [sflag:s16] =	dma.local [hbm:s8], $0x1900  }
0x45: {  	_ =	swait.ge [sflag:s14], $0x1900  }
0x46: {  	[sflag:s14] =	ssyncset.done $0x0  }
0x47: {  	[sflag:s14] =	ssyncadd.s32 $0xFFFFE700  }
0x48: {  	s30 =	simm.s32 $0x0;
	[bflag:$0x0] =	sbarrier.arrive $0xFFFF  }
0x49: {  	[tilespmem:s19], [sflag:$0x1] =	stream.indirect.gather [hbm4b:s5+s18], $0x50, s30, s18, $0xb8;
	[tilespmem:$0x19320] =	vst v63  }
0x4a: {  	_ =	swait.ge [sflag:s20], $0x7D00  }
0x4b: {  	[sflag:s20] =	ssyncset.done $0x0  }
0x4c: {  	s31 =	simm.s32 $0x2710;
	[sflag:s20] =	ssyncadd.s32 $0xFFFF8300  }
0x4d: {  	[spmem:s2] =	stream.indirect.scatter.add.f32 [tilespmem:s19], [sflag:$0x2], $0x50, s31, s18, $0xb8;
	[tilespmem:$0x19320] =	vst v63  }
0x4e: {  	_ =	swait.ge [sflag:s14], $0x7D00  }
0x4f: {  	s23 =	simm.s32 $0xC80;
	s22 =	simm.s32 $0x640;
	[sflag:s14] =	ssyncset.done $0x0  }
.LBB2_4:
0x50: {  	s24 =	sshra.s32 s22, $0x2  }
0x51: {  	[sflag:s14] =	ssyncadd.s32 $0xFFFF8300;
	s22 =	smov.u32 s23;
	s25 =	sadd.s32 $0x640, s23  }
0x52: {  	[tilespmem:s19], [sflag:$0x1] =	stream.indirect.gather [hbm4b:s5+s18], $0x50, s24, s18, $0xb8;
	[tilespmem:$0x19320] =	vst v63  }
0x53: {  	p0 =	sne.s32 s23, $0x9600;
	_ =	swait.ge [sflag:s20], $0x7D00  }
.Ltmp1:
0x54: {  	[sflag:s20] =	ssyncset.done $0x0;
	(pc) =	sbr.rel @p0 .LBB2_4-.Ltmp1, $4  }
0x55: {  	s23 =	sadd.s32 $0x2710, s24;
	[sflag:s20] =	ssyncadd.s32 $0xFFFF8300  }
0x56: {  	[spmem:s2] =	stream.indirect.scatter.add.f32 [tilespmem:s19], [sflag:$0x2], $0x50, s23, s18, $0xb8;
	[tilespmem:$0x19320] =	vst v63  }
0x57: {  	_ =	swait.ge [sflag:s14], $0x7D00  }
0x58: {  	s23 =	smov.u32 s25;
	[sflag:s14] =	ssyncset.done $0x0  }
0x59: {  	s22 =	sshra.s32 s22, $0x2;
	[sflag:s14] =	ssyncadd.s32 $0xFFFF8300  }
0x5a: {  	[tilespmem:s19], [sflag:$0x1] =	stream.indirect.gather [hbm4b:s5+s18], $0x50, s22, s18, $0xb8;
	[tilespmem:$0x19320] =	vst v63  }
0x5b: {  	_ =	swait.ge [sflag:s20], $0x7D00  }
0x5c: {  	[sflag:s20] =	ssyncset.done $0x0  }
0x5d: {  	s22 =	sadd.s32 $0x2710, s22;
	[sflag:s20] =	ssyncadd.s32 $0xFFFF8300  }
0x5e: {  	[spmem:s2] =	stream.indirect.scatter.add.f32 [tilespmem:s19], [sflag:$0x2], $0x50, s22, s18, $0xb8;
	[tilespmem:$0x19320] =	vst v63  }
0x5f: {  	_ =	swait.ge [sflag:s14], $0x7D00  }
0x60: {  	[sflag:s14] =	ssyncset.done $0x0  }
0x61: {  	s21 =	sadd.s32 $0x1, s21;
	[sflag:s14] =	ssyncadd.s32 $0xFFFF8300  }
0x62: {  	p0 =	sne.s32 s21, s13;
	[bflag:$0x0] =	sbarrier.arrive $0xFFFF  }
0x63: {  	[hbm:s12], [sflag:s16] =	dma.local [spmem:s17], $0x1900  }
.Ltmp2:
0x64: {  	_ =	swait.ge [sflag:s14], $0x1900;
	(pc) =	sbr.rel @p0 .LBB2_1-.Ltmp2, $3  }
0x65: {  	[sflag:s14] =	ssyncset.done $0x0  }
0x66: {  	[sflag:s14] =	ssyncadd.s32 $0xFFFFE700  }
0x67: {  	[bflag:$0x0] =	sbarrier.arrive $0xFFFF;
	_ =	sdelay $0x1  }
0x68: {  	_ =	sfence.sel $0x180000  }
0x69: {  	[bflag:$0x0] =	sbarrier.arrive $0xFFFF  }
0x6a: {  	p0 =	sne.s32 s0, $0x0;
	_ =	strace $0x9000004A  }
0x6b: {  	s0 =	sadd.s32 @!p0 $0x100000, s1;
	[bflag:$0x2] =	sbarrier.arrive $0xFFFF  }
0x6c: {  	[sflag:s0] =	ssyncadd.tile.s32 @!p0 $0x1;
	_ =	shalt  }
.Lfunc_end2:
_tile_overlayer_lowered:
.L_overlay_start_2:
0x6d: {  	(tag) =	ssettag $0x2  }
0x6e: {  	s0 =	rddreg [dreg:$0x0];
	s2 =	stileid.u32  }
0x6f: {  	s1 =	rddreg [dreg:$0x1];
	p0 =	sne.s32 s2, $0x0  }
0x70: {  	s3 =	rddreg [dreg:$0x2];
	[bflag:$0x3] =	sbarrier.arrive $0xFFFF;
	s2 =	simm.s32 @!p0 $0x1C02  }
0x71: {  	[timem:s3], [sflag:s2] =	dma.local @!p0 [hbm:s0], s1  }
0x72: {  	s0 =	simm.s32 @!p0 $0x2  }
0x73: {  	_ =	swait.ge @!p0 [sflag:s0], s1  }
0x74: {  	s1 =	ssub.s32 @!p0 $0x0, s1;
	[sflag:s0] =	ssyncset.done @!p0 $0x0  }
0x75: {  	[sflag:s0] =	ssyncadd.s32 @!p0 s1  }
0x76: {  	[bflag:$0x3] =	sbarrier.arrive $0xFFFF  }
0x77: {  	_ =	shalt  }

// kernel: kernel.15.cloned.1.call-start
scs
__scs_entry_jumppad:
0x0: {  	(pc) =	sbr.rel $0x88, $3  }
0x1: {  	(tag) =	ssettag $0x0;
	lr =	simm.s32 $0x1  }
0x2: {  	[smem:$0x3F90] =	sst lr;
	_ =	strace $0xD0000000  }
0x3: {  	_ = 	snop  }
0x4: {  	_ = 	snop  }
0x5: {  	_ = 	snop  }
0x6: {  	_ = 	snop  }
0x7: {  	_ = 	snop  }
__scs_overlays_trampoline_lowered:
0x8: {  	[smem:$0x3F9F] =	sst s0  }
0x9: {  	[smem:$0x3FA0] =	sst s1  }
0xa: {  	[smem:$0x3FA1] =	sst s2  }
0xb: {  	[smem:$0x3FA2] =	sst s3  }
0xc: {  	[smem:$0x3FA3] =	sst s4  }
0xd: {  	[smem:$0x3FA4] =	sst s5  }
0xe: {  	[smem:$0x3FA5] =	sst s6  }
0xf: {  	[smem:$0x3FA6] =	sst s7  }
0x10: {  	[smem:$0x3FA7] =	sst s8  }
0x11: {  	[smem:$0x3FA8] =	sst s9;
	s0 =	simm.s32 @!p0 $0x0  }
0x12: {  	s1 =	sld [smem:$0x3F8E];
	s0 =	simm.s32 @p0 $0x1  }
0x13: {  	[smem:$0x3FA9] =	sst s0;
	s0 =	simm.s32 @!p1 $0x0  }
0x14: {  	s2 =	sld [smem:$0x3F8D];
	s0 =	simm.s32 @p1 $0x1  }
0x15: {  	[smem:$0x3FAA] =	sst s0;
	s0 =	simm.s32 @!p2 $0x0  }
0x16: {  	s3 =	sld [smem:$0x3FDB];
	s0 =	simm.s32 @p2 $0x1  }
0x17: {  	s4 =	simm.s32 $0x1BF5;
	[smem:$0x3FAC] =	sst s0  }
0x18: {  	s0 =	sld [smem:$0x3F8F];
	_ =	swait.ge [sflag:s4], $0x0  }
0x19: {  	s7 =	sld [smem:$0x3F90]  }
0x1a: {  	s8 =	sadd.s32 $0xFFFFE003, lr  }
0x1b: {  	s9 =	sadd.s32 $0xFFFFFEF7, lr;
	s5 =	simm.s32 $0xFFFFFFFF;
	p2 =	slt.u32 s8, $0xFFFFF086  }
0x1c: {  	p1 =	slt.u32 s9, $0xF7A;
	s5 =	simm.s32 @!p2 $0x0  }
0x1d: {  	s5 =	simm.s32 @p1 $0x1;
	p0 =	seq.s32 s7, s2  }
0x1e: {  	s7 =	smul.u32 @!p0 $0xF7A, s2;
	p2 =	seq.s32 @!p0 s5, $0x0  }
0x1f: {  	s9 =	smul.u32 $0xF7A, s1;
	s8 =	simm.s32 @!p0 $0x1BF5;
	p2 =	por !p2, p0  }
0x20: {  	[sflag:s8] =	ssyncset.s32 @!p0 $0xFFFFF086;
	s6 =	sadd.s32 @!p0 s3, s7;
	s7 =	simm.s32 @!p0 $0x108  }
0x21: {  	s3 =	sadd.s32 s3, s9;
	s6 =	sadd.s32 @!p0 $0x88, s6;
	s7 =	simm.s32 @p2 $0x1082  }
0x22: {  	[simem:s7], [sflag:s8] =	dma.local @!p0 [hbm:s6], $0xF7A  }
0x23: {  	s9 =	sor.u32 $0xD0000000, s2;
	s6 =	simm.s32 $0x108;
	_ =	swait.ge @!p0 [sflag:s8], $0x0  }
0x24: {  	s3 =	sadd.s32 $0x88, s3;
	s6 =	simm.s32 @!p1 $0x1082;
	[sflag:s4] =	ssyncset.s32 $0xFFFFF086  }
0x25: {  	[simem:s6], [sflag:s4] =	dma.local [hbm:s3], $0xF7A  }
0x26: {  	[smem:$0x3F90] =	sst s1;
	(tag) =	ssettag s2;
	_ =	strace s9  }
0x27: {  	s1 =	sld [smem:$0x3FA0]  }
0x28: {  	s2 =	sld [smem:$0x3FA1]  }
0x29: {  	s4 =	sld [smem:$0x3FA3]  }
0x2a: {  	p0 =	seq.s32 s5, $0x0;
	s5 =	sld [smem:$0x3FA4]  }
0x2b: {  	s6 =	sld [smem:$0x3FA5]  }
0x2c: {  	s7 =	sld [smem:$0x3FA6]  }
0x2d: {  	s3 =	simm.s32 $0x108;
	s8 =	sld [smem:$0x3FA7]  }
0x2e: {  	s3 =	simm.s32 @!p0 $0x1082;
	s9 =	sld [smem:$0x3FA8]  }
0x2f: {  	lr =	sadd.s32 s0, s3;
	s0 =	sld [smem:$0x3F9F]  }
0x30: {  	s3 =	sld [smem:$0x3FA2]  }
0x31: {  	[smem:$0x3FAB] =	sst s10  }
0x32: {  	s10 =	sld [smem:$0x3FA9];
	_ =	sdelay $0x3  }
0x33: {  	p0 =	seq.s32 s10, $0x1;
	s10 =	sld [smem:$0x3FAB];
	_ =	sdelay $0x3  }
0x34: {  	[smem:$0x3FAB] =	sst s10  }
0x35: {  	s10 =	sld [smem:$0x3FAA];
	_ =	sdelay $0x3  }
0x36: {  	p1 =	seq.s32 s10, $0x1;
	s10 =	sld [smem:$0x3FAB];
	_ =	sdelay $0x3  }
0x37: {  	[smem:$0x3FAB] =	sst s10  }
0x38: {  	s10 =	sld [smem:$0x3FAC]  }
0x39: {  	_ = 	snop;
	(pc) =	sbr.ind lr, $3  }
0x3a: {  	_ = 	snop  }
0x3b: {  	_ = 	snop  }
0x3c: {  	p2 =	seq.s32 s10, $0x1;
	s10 =	sld [smem:$0x3FAB]  }
0x3d: {  	_ =	shalt  }
0x3e: {  	_ =	shalt  }
0x3f: {  	_ =	shalt  }
0x40: {  	_ =	shalt  }
0x41: {  	_ =	shalt  }
0x42: {  	_ =	shalt  }
0x43: {  	_ =	shalt  }
0x44: {  	_ =	shalt  }
0x45: {  	_ =	shalt  }
0x46: {  	_ =	shalt  }
0x47: {  	_ =	shalt  }
0x48: {  	_ =	shalt  }
0x49: {  	_ =	shalt  }
0x4a: {  	_ =	shalt  }
0x4b: {  	_ =	shalt  }
0x4c: {  	_ =	shalt  }
0x4d: {  	_ =	shalt  }
0x4e: {  	_ =	shalt  }
0x4f: {  	_ =	shalt  }
0x50: {  	_ =	shalt  }
0x51: {  	_ =	shalt  }
0x52: {  	_ =	shalt  }
0x53: {  	_ =	shalt  }
0x54: {  	_ =	shalt  }
0x55: {  	_ =	shalt  }
0x56: {  	_ =	shalt  }
0x57: {  	_ =	shalt  }
0x58: {  	_ =	shalt  }
0x59: {  	_ =	shalt  }
0x5a: {  	_ =	shalt  }
0x5b: {  	_ =	shalt  }
0x5c: {  	_ =	shalt  }
0x5d: {  	_ =	shalt  }
0x5e: {  	_ =	shalt  }
0x5f: {  	_ =	shalt  }
0x60: {  	_ =	shalt  }
0x61: {  	_ =	shalt  }
0x62: {  	_ =	shalt  }
0x63: {  	_ =	shalt  }
0x64: {  	_ =	shalt  }
0x65: {  	_ =	shalt  }
0x66: {  	_ =	shalt  }
0x67: {  	_ =	shalt  }
0x68: {  	_ =	shalt  }
0x69: {  	_ =	shalt  }
0x6a: {  	_ =	shalt  }
0x6b: {  	_ =	shalt  }
0x6c: {  	_ =	shalt  }
0x6d: {  	_ =	shalt  }
0x6e: {  	_ =	shalt  }
0x6f: {  	_ =	shalt  }
0x70: {  	_ =	shalt  }
0x71: {  	_ =	shalt  }
0x72: {  	_ =	shalt  }
0x73: {  	_ =	shalt  }
0x74: {  	_ =	shalt  }
0x75: {  	_ =	shalt  }
0x76: {  	_ =	shalt  }
0x77: {  	_ =	shalt  }
0x78: {  	_ =	shalt  }
0x79: {  	_ =	shalt  }
0x7a: {  	_ =	shalt  }
0x7b: {  	_ =	shalt  }
0x7c: {  	_ =	shalt  }
0x7d: {  	_ =	shalt  }
0x7e: {  	_ =	shalt  }
0x7f: {  	_ =	shalt  }
0x80: {  	_ =	shalt  }
0x81: {  	_ =	shalt  }
0x82: {  	_ =	shalt  }
0x83: {  	_ =	shalt  }
0x84: {  	_ =	shalt  }
0x85: {  	_ =	shalt  }
0x86: {  	_ =	shalt  }
0x87: {  	_ =	shalt  }
.Lfunc_end0:
.L_simem_size_0:
called_computation.2_lowered:
.L_overlay_start_0:
0x88: {  	s2 =	sld [smem:$0x3FD9]  }
0x89: {  	s3 =	sld [smem:$0x3FFE];
	_ =	sdelay $0x1  }
0x8a: {  	s1 =	srdreg.scid  }
0x8b: {  	s0 =	sand.u32 $0x1, s1  }
0x8c: {  	s17 =	sshll.u32 s0, $0xA;
	s2 =	sadd.s32 s3, s2  }
0x8d: {  	s2 =	sadd.s32 s2, s17  }
0x8e: {  	[smem:$0x3FB7] =	sst s2  }
0x8f: {  	_ = 	snop  }
0x90: {  	s2 =	sld [smem:$0x3FD0];
	(tm) =	ssettm $0x1  }
0x91: {  	s18 =	sld [smem:$0x3FFB];
	_ =	sdelay $0x3  }
0x92: {  	_ =	strace s18  }
0x93: {  	s3 =	sld [smem:$0x3FFC];
	_ =	sdelay $0x3  }
0x94: {  	_ =	strace s3  }
0x95: {  	s3 =	sld [smem:$0x3FFD];
	_ =	sdelay $0x3  }
0x96: {  	_ =	strace s3  }
0x97: {  	_ =	strace $0x8FFFFFFF  }
0x98: {  	s19 =	sld [smem:$0x3FDB];
	_ =	sdelay $0x1  }
0x99: {  	s4 =	simm.s32 $_scs_section_size  }
0x9a: {  	s5 =	simm.s32 $_size__tile_overlayer_lowered;
	s6 =	simm.s32 $_tile_overlayer_lowered  }
0x9b: {  	s22 =	simm.s32 $0x1BFF;
	s21 =	sshll.u32 s6, $0x1;
	s3 =	sadd.s32 s4, s19  }
0x9c: {  	s7 =	simm.s32 $0x0;
	s20 =	sshll.u32 s5, $0x1;
	s5 =	sadd.s32 s21, s3  }
0x9d: {  	[timem:s7], [sflag:s22] =	dma.local [hbm:s5], s20  }
0x9e: {  	_ =	swait.ge [sflag:s22], s20  }
0x9f: {  	s4 =	ssub.s32 $0x0, s20;
	[sflag:s22] =	ssyncset.done $0x0  }
0xa0: {  	[sflag:s22] =	ssyncadd.s32 s4;
	_ =	sdelay $0x1  }
0xa1: {  	s23 =	simm.s32 $0x1B8B  }
0xa2: {  	_ =	swait.ge [sflag:s23], $0x1  }
0xa3: {  	[sflag:s23] =	ssyncset.done $0x0  }
0xa4: {  	s25 =	simm.s32 $0x1B8E;
	s24 =	sld [smem:$0x3FFE];
	[sflag:s23] =	ssyncadd.s32 $0xFFFFFFFF  }
0xa5: {  	s26 =	simm.s32 $execute0_lowered;
	[smem:$0x3FD2] =	sst s25  }
0xa6: {  	s5 =	sshll.u32 s26, $0x1;
	_ =	strace $0x8000004C;
	[dreg:$0x1] =	wrdreg $0xFFFFFFFF  }
0xa7: {  	s28 =	simm.s32 $_size_execute0_lowered;
	s3 =	sadd.s32 s3, s5;
	[dreg:$0x0] =	wrdreg $0x0  }
0xa8: {  	s5 =	sshll.u32 s28, $0x1;
	[dreg:$0x2] =	wrdreg s3  }
0xa9: {  	[dreg:$0x3] =	wrdreg s5  }
0xaa: {  	[dreg:$0x4] =	wrdreg $0xC0  }
0xab: {  	_ =	task [dreg:s7], $0x5FFFF  }
0xac: {  	[dreg:$0x1] =	wrdreg $0xFFFFFFFF  }
0xad: {  	[dreg:$0x0] =	wrdreg $0x60  }
0xae: {  	[dreg:$0x2] =	wrdreg s24  }
0xaf: {  	[dreg:$0x3] =	wrdreg s2  }
0xb0: {  	[dreg:$0x4] =	wrdreg $0x9  }
0xb1: {  	_ =	task.clear_ibuf [dreg:s7], $0x5FFFF;
	_ =	strace $0x9000004C  }
0xb2: {  	s29 =	simm.s32 $0x9;
	_ =	strace $0x8000004E  }
0xb3: {  	_ =	swait.ge [sflag:s29], $0x1  }
0xb4: {  	[sflag:s29] =	ssyncadd.s32 $0xFFFFFFFF  }
0xb5: {  	_ =	strace $0x9000004E  }
0xb6: {  	_ =	sfence  }
0xb7: {  	s30 =	sld [smem:$0x0];
	_ =	sdelay $0x2  }
0xb8: {  	s31 =	sshll.u32 s1, $0xD;
	s1 =	sshrl.u32 s1, $0x2  }
0xb9: {  	s3 =	sand.u32 $0x4000, s31;
	s1 =	sadd.s32 s1, s30  }
0xba: {  	s0 =	sor.u32 s3, s0;
	s1 =	sshll.u32 s1, $0x11  }
0xbb: {  	s0 =	sor.u32 s1, s0  }
0xbc: {  	s0 =	sadd.s32 $0x8F2B, s0  }
0xbd: {  	[sflag:s0] =	ssyncadd.remote.s32 $0x1  }
0xbe: {  	_ =	sfence.sel $0xFFFF  }
0xbf: {  	[dreg:$0x0] =	wrdreg $0xFFFFFFFF;
	(pc) =	sbr.abs _section_cstart, $3  }
0xc0: {  	[dreg:$0x1] =	wrdreg $0xFFFFFFFF  }
0xc1: {  	_ =	task.clear_ibuf [dreg:s7], $0x2FFFF;
	_ =	strace $0x9FFFFFFF  }
0xc2: {  	(tm) =	ssettm $0x7FFFFFFF  }
0xc3: {  	_ =	shalt  }
tec
execute0_lowered:
.L_overlay_start_1:
0x0: {  	(tag) =	ssettag $0x1  }
0x1: {  	s5 =	rddreg [dreg:$0x0]  }
0x2: {  	s8 =	rddreg [dreg:$0x1]  }
0x3: {  	s0 =	rddreg [dreg:$0x2]  }
0x4: {  	s2 =	simm.s32 $0x0;
	s1 =	stileid.u32;
	s4 =	srdreg.scid  }
0x5: {  	[smem:$0x7FF] =	sst s2;
	s6 =	smul.u32 $0x1F40, s1  }
0x6: {  	s3 =	sadd.s32 $0x1A00, s5;
	s7 =	sand.u32 $0x1, s4;
	s9 =	smul.u32 $0x64, s1  }
0x7: {  	s4 =	sadd.s32 $0x1A200, s5;
	_ =	strace $0x8000004D;
	s12 =	smul.u32 $0xFA0, s7  }
0x8: {  	s10 =	ssub.s32 $0x2, s7;
	s29 =	smul.u32 $0x32, s7;
	s11 =	sadd.s32 s6, s5  }
0x9: {  	s28 =	sshrl.u32 s10, $0x1;
	s13 =	sadd.s32 s9, s5;
	s5 =	sshll.u32 s1, $0x1  }
0xa: {  	s31 =	sadd.s32 s9, s8;
	s6 =	ssub.s32 s10, s28;
	s11 =	sadd.s32 s12, s11  }
0xb: {  	s30 =	sadd.s32 s29, s13;
	s10 =	sadd.s32 s29, s31;
	s6 =	smax.u32 s6, $0x1  }
0xc: {  	s7 =	sadd.s32 $0x183800, s11;
	s8 =	sadd.s32 $0x8F400, s11;
	s9 =	sadd.s32 $0x8C200, s30  }
.LBB2_1:
0xd: {  	p0 =	sgt.u32 s5, $0xF9  }
0xe: {  	s12 =	simm.s32 @!p0 $0x0;
	s14 =	simm.s32 @!p0 $0x3;
	p0 =	por p0, p0  }
0xf: {  	[tilespmem:s12], [sflag:$0x3] =	stream.linear.gather @!p0 [hbm4b:s9+s12], $0x190, $0x38;
	[tilespmem:$0xFD20] =	vst v63  }
0x10: {  	_ =	swait.ge @!p0 [sflag:s14], $0x190  }
0x11: {  	[sflag:s14] =	ssyncset.done @!p0 $0x0  }
0x12: {  	s11 =	simm.s32 @!p0 $0x190;
	[sflag:s14] =	ssyncadd.s32 @!p0 $0xFFFFFE70  }
0x13: {  	[tilespmem:s11], [sflag:$0x3] =	stream.linear.gather @!p0 [hbm4b:s10+s12], $0x190, $0x38;
	[tilespmem:$0xFD20] =	vst v63  }
0x14: {  	_ =	swait.ge @!p0 [sflag:s14], $0x190  }
0x15: {  	[sflag:s14] =	ssyncset.done @!p0 $0x0  }
0x16: {  	s13 =	simm.s32 @!p0 $0x320;
	s15 =	simm.s32 @!p0 $0x1;
	[sflag:s14] =	ssyncadd.s32 @!p0 $0xFFFFFE70  }
0x17: {  	[tilespmem:s13], [sflag:$0x1] =	stream.indirect.gather @!p0 [hbm4b:s3+s11], $0x50, s12, s11, $0xb8;
	[tilespmem:$0xFD20] =	vst v63  }
0x18: {  	_ =	swait.ge @!p0 [sflag:s15], $0x7D00  }
0x19: {  	[sflag:s15] =	ssyncset.done @!p0 $0x0  }
0x1a: {  	s17 =	simm.s32 @!p0 $0x8020;
	[sflag:s15] =	ssyncadd.s32 @!p0 $0xFFFF8300  }
0x1b: {  	[tilespmem:s17], [sflag:$0x1] =	stream.indirect.gather @!p0 [hbm4b:s4+s11], $0x50, s11, s11, $0xb8;
	[tilespmem:$0xFD20] =	vst v63  }
0x1c: {  	_ =	swait.ge @!p0 [sflag:s15], $0x7D00  }
0x1d: {  	[sflag:s15] =	ssyncset.done @!p0 $0x0  }
0x1e: {  	s11 =	sadd.s32 @!p0 $0x0, s7;
	[sflag:s15] =	ssyncadd.s32 @!p0 $0xFFFF8300  }
0x1f: {  	[hbm4b:s11+s12] =	stream.linear.scatter @!p0 [tilespmem:s13], [sflag:$0x3], $0x7D00, $0x38;
	[tilespmem:$0xFD20] =	vst v63  }
0x20: {  	_ =	swait.ge @!p0 [sflag:s14], $0x7D00  }
0x21: {  	s16 =	simm.s32 @!p0 $0x2;
	s15 =	sadd.s32 $0x20, s5;
	[sflag:s14] =	ssyncset.done @!p0 $0x0  }
0x22: {  	s11 =	simm.s32 $0x1F400;
	[sflag:s14] =	ssyncadd.s32 @!p0 $0xFFFF8300;
	s14 =	sadd.s32 @!p0 $0x0, s8  }
0x23: {  	[hbm4b:s14+s12] =	stream.linear.scatter @!p0 [tilespmem:s17], [sflag:$0x2], $0x7D00, $0x38;
	[tilespmem:$0xFD20] =	vst v63  }
0x24: {  	s13 =	simm.s32 $0x3E800;
	p2 =	sgt.u32 s15, $0xF9;
	_ =	swait.ge @!p0 [sflag:s16], $0x7D00  }
0x25: {  	s12 =	sadd.s32 $0x640, s10;
	s14 =	sadd.s32 $0x640, s9;
	[sflag:s16] =	ssyncset.done @!p0 $0x0  }
.LBB2_2:
0x26: {  	s17 =	simm.s32 @!p2 $0x0;
	s18 =	simm.s32 @!p2 $0x3;
	[sflag:s16] =	ssyncadd.s32 @!p0 $0xFFFF8300  }
0x27: {  	s16 =	smov.u32 s11;
	s11 =	smov.u32 s13;
	p0 =	por p2, p2  }
0x28: {  	[tilespmem:s17], [sflag:$0x3] =	stream.linear.gather @!p0 [hbm4b:s14+s17], $0x190, $0x38;
	[tilespmem:$0xFD20] =	vst v63  }
0x29: {  	s13 =	sadd.s32 $0x1F400, s13;
	_ =	swait.ge @!p0 [sflag:s18], $0x190  }
0x2a: {  	p1 =	sne.s32 s13, $0xFA000;
	[sflag:s18] =	ssyncset.done @!p0 $0x0  }
0x2b: {  	s19 =	simm.s32 @!p0 $0x190;
	[sflag:s18] =	ssyncadd.s32 @!p0 $0xFFFFFE70  }
0x2c: {  	[tilespmem:s19], [sflag:$0x3] =	stream.linear.gather @!p0 [hbm4b:s12+s17], $0x190, $0x38;
	[tilespmem:$0xFD20] =	vst v63  }
0x2d: {  	_ =	swait.ge @!p0 [sflag:s18], $0x190  }
0x2e: {  	[sflag:s18] =	ssyncset.done @!p0 $0x0  }
0x2f: {  	s20 =	simm.s32 @!p0 $0x320;
	s21 =	simm.s32 @!p0 $0x1;
	[sflag:s18] =	ssyncadd.s32 @!p0 $0xFFFFFE70  }
0x30: {  	[tilespmem:s20], [sflag:$0x1] =	stream.indirect.gather @!p0 [hbm4b:s3+s19], $0x50, s17, s19, $0xb8;
	[tilespmem:$0xFD20] =	vst v63  }
0x31: {  	_ =	swait.ge @!p0 [sflag:s21], $0x7D00  }
0x32: {  	[sflag:s21] =	ssyncset.done @!p0 $0x0  }
0x33: {  	s22 =	simm.s32 @!p0 $0x8020;
	[sflag:s21] =	ssyncadd.s32 @!p0 $0xFFFF8300  }
0x34: {  	[tilespmem:s22], [sflag:$0x1] =	stream.indirect.gather @!p0 [hbm4b:s4+s19], $0x50, s19, s19, $0xb8;
	[tilespmem:$0xFD20] =	vst v63  }
0x35: {  	_ =	swait.ge @!p0 [sflag:s21], $0x7D00  }
0x36: {  	[sflag:s21] =	ssyncset.done @!p0 $0x0  }
0x37: {  	s19 =	sadd.s32 @!p0 s16, s7;
	[sflag:s21] =	ssyncadd.s32 @!p0 $0xFFFF8300  }
0x38: {  	[hbm4b:s19+s17] =	stream.linear.scatter @!p0 [tilespmem:s20], [sflag:$0x3], $0x7D00, $0x38;
	[tilespmem:$0xFD20] =	vst v63  }
0x39: {  	_ =	swait.ge @!p0 [sflag:s18], $0x7D00  }
.Ltmp0:
0x3a: {  	[sflag:s18] =	ssyncset.done @!p0 $0x0;
	(pc) =	sbr.rel @p1 .LBB2_2-.Ltmp0, $4  }
0x3b: {  	[sflag:s18] =	ssyncadd.s32 @!p0 $0xFFFF8300;
	s18 =	sadd.s32 @!p0 s16, s8;
	s16 =	simm.s32 @!p0 $0x2  }
0x3c: {  	[hbm4b:s18+s17] =	stream.linear.scatter @!p0 [tilespmem:s22], [sflag:$0x2], $0x7D00, $0x38;
	[tilespmem:$0xFD20] =	vst v63  }
0x3d: {  	s15 =	sadd.s32 $0x20, s15;
	s12 =	sadd.s32 $0x640, s12;
	_ =	swait.ge @!p0 [sflag:s16], $0x7D00  }
0x3e: {  	p2 =	sgt.u32 s15, $0xF9;
	s14 =	sadd.s32 $0x640, s14;
	[sflag:s16] =	ssyncset.done @!p0 $0x0  }
0x3f: {  	s13 =	simm.s32 @!p2 $0x0  }
0x40: {  	s15 =	simm.s32 @!p2 $0x3;
	[sflag:s16] =	ssyncadd.s32 @!p0 $0xFFFF8300;
	p0 =	por p2, p2  }
0x41: {  	[tilespmem:s13], [sflag:$0x3] =	stream.linear.gather @!p0 [hbm4b:s14+s13], $0x190, $0x38;
	[tilespmem:$0xFD20] =	vst v63  }
0x42: {  	_ =	swait.ge @!p0 [sflag:s15], $0x190  }
0x43: {  	[sflag:s15] =	ssyncset.done @!p0 $0x0  }
0x44: {  	s14 =	simm.s32 @!p0 $0x190;
	[sflag:s15] =	ssyncadd.s32 @!p0 $0xFFFFFE70  }
0x45: {  	[tilespmem:s14], [sflag:$0x3] =	stream.linear.gather @!p0 [hbm4b:s12+s13], $0x190, $0x38;
	[tilespmem:$0xFD20] =	vst v63  }
0x46: {  	_ =	swait.ge @!p0 [sflag:s15], $0x190  }
0x47: {  	[sflag:s15] =	ssyncset.done @!p0 $0x0  }
0x48: {  	s16 =	simm.s32 @!p0 $0x1;
	s12 =	simm.s32 @!p0 $0x320;
	[sflag:s15] =	ssyncadd.s32 @!p0 $0xFFFFFE70  }
0x49: {  	[tilespmem:s12], [sflag:$0x1] =	stream.indirect.gather @!p0 [hbm4b:s3+s14], $0x50, s13, s14, $0xb8;
	[tilespmem:$0xFD20] =	vst v63  }
0x4a: {  	_ =	swait.ge @!p0 [sflag:s16], $0x7D00  }
0x4b: {  	[sflag:s16] =	ssyncset.done @!p0 $0x0  }
0x4c: {  	s17 =	simm.s32 @!p0 $0x8020;
	[sflag:s16] =	ssyncadd.s32 @!p0 $0xFFFF8300  }
0x4d: {  	[tilespmem:s17], [sflag:$0x1] =	stream.indirect.gather @!p0 [hbm4b:s4+s14], $0x50, s14, s14, $0xb8;
	[tilespmem:$0xFD20] =	vst v63  }
0x4e: {  	_ =	swait.ge @!p0 [sflag:s16], $0x7D00  }
0x4f: {  	[sflag:s16] =	ssyncset.done @!p0 $0x0  }
0x50: {  	s14 =	sadd.s32 @!p0 s11, s7;
	[sflag:s16] =	ssyncadd.s32 @!p0 $0xFFFF8300  }
0x51: {  	[hbm4b:s14+s13] =	stream.linear.scatter @!p0 [tilespmem:s12], [sflag:$0x3], $0x7D00, $0x38;
	[tilespmem:$0xFD20] =	vst v63  }
0x52: {  	s2 =	sadd.s32 $0x1, s2;
	_ =	swait.ge @!p0 [sflag:s15], $0x7D00  }
0x53: {  	p1 =	sne.s32 s2, s6;
	s11 =	sadd.s32 @!p0 s11, s8;
	[sflag:s15] =	ssyncset.done @!p0 $0x0  }
.Ltmp1:
0x54: {  	s12 =	simm.s32 @!p0 $0x2;
	[sflag:s15] =	ssyncadd.s32 @!p0 $0xFFFF8300;
	(pc) =	sbr.rel @p1 .LBB2_1-.Ltmp1, $4  }
0x55: {  	[hbm4b:s11+s13] =	stream.linear.scatter @!p0 [tilespmem:s17], [sflag:$0x2], $0x7D00, $0x38;
	[tilespmem:$0xFD20] =	vst v63  }
0x56: {  	_ =	swait.ge @!p0 [sflag:s12], $0x7D00  }
0x57: {  	[sflag:s12] =	ssyncset.done @!p0 $0x0  }
0x58: {  	[sflag:s12] =	ssyncadd.s32 @!p0 $0xFFFF8300  }
0x59: {  	_ =	sfence.sel $0x180000  }
0x5a: {  	[bflag:$0x0] =	sbarrier.arrive $0xFFFF  }
0x5b: {  	p0 =	sne.s32 s1, $0x0;
	_ =	strace $0x9000004D  }
0x5c: {  	s0 =	sadd.s32 @!p0 $0x100000, s0;
	[bflag:$0x2] =	sbarrier.arrive $0xFFFF  }
0x5d: {  	[sflag:s0] =	ssyncadd.tile.s32 @!p0 $0x1;
	_ =	shalt  }
.Lfunc_end2:
_tile_overlayer_lowered:
.L_overlay_start_2:
0x5e: {  	(tag) =	ssettag $0x2  }
0x5f: {  	s0 =	rddreg [dreg:$0x0];
	s2 =	stileid.u32  }
0x60: {  	s1 =	rddreg [dreg:$0x1];
	p0 =	sne.s32 s2, $0x0  }
0x61: {  	s3 =	rddreg [dreg:$0x2];
	[bflag:$0x3] =	sbarrier.arrive $0xFFFF;
	s2 =	simm.s32 @!p0 $0x1C02  }
0x62: {  	[timem:s3], [sflag:s2] =	dma.local @!p0 [hbm:s0], s1  }
0x63: {  	s0 =	simm.s32 @!p0 $0x2  }
0x64: {  	_ =	swait.ge @!p0 [sflag:s0], s1  }
0x65: {  	s1 =	ssub.s32 @!p0 $0x0, s1;
	[sflag:s0] =	ssyncset.done @!p0 $0x0  }
0x66: {  	[sflag:s0] =	ssyncadd.s32 @!p0 s1  }
0x67: {  	[bflag:$0x3] =	sbarrier.arrive $0xFFFF  }
0x68: {  	_ =	shalt  }

// kernel: kernel.9.cloned.1.call-start
scs
__scs_entry_jumppad:
0x0: {  	(pc) =	sbr.rel $0x88, $3  }
0x1: {  	(tag) =	ssettag $0x0;
	lr =	simm.s32 $0x1  }
0x2: {  	[smem:$0x3F90] =	sst lr;
	_ =	strace $0xD0000000  }
0x3: {  	_ = 	snop  }
0x4: {  	_ = 	snop  }
0x5: {  	_ = 	snop  }
0x6: {  	_ = 	snop  }
0x7: {  	_ = 	snop  }
__scs_overlays_trampoline_lowered:
0x8: {  	[smem:$0x3F9F] =	sst s0  }
0x9: {  	[smem:$0x3FA0] =	sst s1  }
0xa: {  	[smem:$0x3FA1] =	sst s2  }
0xb: {  	[smem:$0x3FA2] =	sst s3  }
0xc: {  	[smem:$0x3FA3] =	sst s4  }
0xd: {  	[smem:$0x3FA4] =	sst s5  }
0xe: {  	[smem:$0x3FA5] =	sst s6  }
0xf: {  	[smem:$0x3FA6] =	sst s7  }
0x10: {  	[smem:$0x3FA7] =	sst s8  }
0x11: {  	[smem:$0x3FA8] =	sst s9;
	s0 =	simm.s32 @!p0 $0x0  }
0x12: {  	s1 =	sld [smem:$0x3F8E];
	s0 =	simm.s32 @p0 $0x1  }
0x13: {  	[smem:$0x3FA9] =	sst s0;
	s0 =	simm.s32 @!p1 $0x0  }
0x14: {  	s2 =	sld [smem:$0x3F8D];
	s0 =	simm.s32 @p1 $0x1  }
0x15: {  	[smem:$0x3FAA] =	sst s0;
	s0 =	simm.s32 @!p2 $0x0  }
0x16: {  	s3 =	sld [smem:$0x3FDB];
	s0 =	simm.s32 @p2 $0x1  }
0x17: {  	s4 =	simm.s32 $0x1BF5;
	[smem:$0x3FAC] =	sst s0  }
0x18: {  	s0 =	sld [smem:$0x3F8F];
	_ =	swait.ge [sflag:s4], $0x0  }
0x19: {  	s7 =	sld [smem:$0x3F90]  }
0x1a: {  	s8 =	sadd.s32 $0xFFFFE003, lr  }
0x1b: {  	s9 =	sadd.s32 $0xFFFFFEF7, lr;
	s5 =	simm.s32 $0xFFFFFFFF;
	p2 =	slt.u32 s8, $0xFFFFF086  }
0x1c: {  	p1 =	slt.u32 s9, $0xF7A;
	s5 =	simm.s32 @!p2 $0x0  }
0x1d: {  	s5 =	simm.s32 @p1 $0x1;
	p0 =	seq.s32 s7, s2  }
0x1e: {  	s7 =	smul.u32 @!p0 $0xF7A, s2;
	p2 =	seq.s32 @!p0 s5, $0x0  }
0x1f: {  	s9 =	smul.u32 $0xF7A, s1;
	s8 =	simm.s32 @!p0 $0x1BF5;
	p2 =	por !p2, p0  }
0x20: {  	[sflag:s8] =	ssyncset.s32 @!p0 $0xFFFFF086;
	s6 =	sadd.s32 @!p0 s3, s7;
	s7 =	simm.s32 @!p0 $0x108  }
0x21: {  	s3 =	sadd.s32 s3, s9;
	s6 =	sadd.s32 @!p0 $0x88, s6;
	s7 =	simm.s32 @p2 $0x1082  }
0x22: {  	[simem:s7], [sflag:s8] =	dma.local @!p0 [hbm:s6], $0xF7A  }
0x23: {  	s9 =	sor.u32 $0xD0000000, s2;
	s6 =	simm.s32 $0x108;
	_ =	swait.ge @!p0 [sflag:s8], $0x0  }
0x24: {  	s3 =	sadd.s32 $0x88, s3;
	s6 =	simm.s32 @!p1 $0x1082;
	[sflag:s4] =	ssyncset.s32 $0xFFFFF086  }
0x25: {  	[simem:s6], [sflag:s4] =	dma.local [hbm:s3], $0xF7A  }
0x26: {  	[smem:$0x3F90] =	sst s1;
	(tag) =	ssettag s2;
	_ =	strace s9  }
0x27: {  	s1 =	sld [smem:$0x3FA0]  }
0x28: {  	s2 =	sld [smem:$0x3FA1]  }
0x29: {  	s4 =	sld [smem:$0x3FA3]  }
0x2a: {  	p0 =	seq.s32 s5, $0x0;
	s5 =	sld [smem:$0x3FA4]  }
0x2b: {  	s6 =	sld [smem:$0x3FA5]  }
0x2c: {  	s7 =	sld [smem:$0x3FA6]  }
0x2d: {  	s3 =	simm.s32 $0x108;
	s8 =	sld [smem:$0x3FA7]  }
0x2e: {  	s3 =	simm.s32 @!p0 $0x1082;
	s9 =	sld [smem:$0x3FA8]  }
0x2f: {  	lr =	sadd.s32 s0, s3;
	s0 =	sld [smem:$0x3F9F]  }
0x30: {  	s3 =	sld [smem:$0x3FA2]  }
0x31: {  	[smem:$0x3FAB] =	sst s10  }
0x32: {  	s10 =	sld [smem:$0x3FA9];
	_ =	sdelay $0x3  }
0x33: {  	p0 =	seq.s32 s10, $0x1;
	s10 =	sld [smem:$0x3FAB];
	_ =	sdelay $0x3  }
0x34: {  	[smem:$0x3FAB] =	sst s10  }
0x35: {  	s10 =	sld [smem:$0x3FAA];
	_ =	sdelay $0x3  }
0x36: {  	p1 =	seq.s32 s10, $0x1;
	s10 =	sld [smem:$0x3FAB];
	_ =	sdelay $0x3  }
0x37: {  	[smem:$0x3FAB] =	sst s10  }
0x38: {  	s10 =	sld [smem:$0x3FAC]  }
0x39: {  	_ = 	snop;
	(pc) =	sbr.ind lr, $3  }
0x3a: {  	_ = 	snop  }
0x3b: {  	_ = 	snop  }
0x3c: {  	p2 =	seq.s32 s10, $0x1;
	s10 =	sld [smem:$0x3FAB]  }
0x3d: {  	_ =	shalt  }
0x3e: {  	_ =	shalt  }
0x3f: {  	_ =	shalt  }
0x40: {  	_ =	shalt  }
0x41: {  	_ =	shalt  }
0x42: {  	_ =	shalt  }
0x43: {  	_ =	shalt  }
0x44: {  	_ =	shalt  }
0x45: {  	_ =	shalt  }
0x46: {  	_ =	shalt  }
0x47: {  	_ =	shalt  }
0x48: {  	_ =	shalt  }
0x49: {  	_ =	shalt  }
0x4a: {  	_ =	shalt  }
0x4b: {  	_ =	shalt  }
0x4c: {  	_ =	shalt  }
0x4d: {  	_ =	shalt  }
0x4e: {  	_ =	shalt  }
0x4f: {  	_ =	shalt  }
0x50: {  	_ =	shalt  }
0x51: {  	_ =	shalt  }
0x52: {  	_ =	shalt  }
0x53: {  	_ =	shalt  }
0x54: {  	_ =	shalt  }
0x55: {  	_ =	shalt  }
0x56: {  	_ =	shalt  }
0x57: {  	_ =	shalt  }
0x58: {  	_ =	shalt  }
0x59: {  	_ =	shalt  }
0x5a: {  	_ =	shalt  }
0x5b: {  	_ =	shalt  }
0x5c: {  	_ =	shalt  }
0x5d: {  	_ =	shalt  }
0x5e: {  	_ =	shalt  }
0x5f: {  	_ =	shalt  }
0x60: {  	_ =	shalt  }
0x61: {  	_ =	shalt  }
0x62: {  	_ =	shalt  }
0x63: {  	_ =	shalt  }
0x64: {  	_ =	shalt  }
0x65: {  	_ =	shalt  }
0x66: {  	_ =	shalt  }
0x67: {  	_ =	shalt  }
0x68: {  	_ =	shalt  }
0x69: {  	_ =	shalt  }
0x6a: {  	_ =	shalt  }
0x6b: {  	_ =	shalt  }
0x6c: {  	_ =	shalt  }
0x6d: {  	_ =	shalt  }
0x6e: {  	_ =	shalt  }
0x6f: {  	_ =	shalt  }
0x70: {  	_ =	shalt  }
0x71: {  	_ =	shalt  }
0x72: {  	_ =	shalt  }
0x73: {  	_ =	shalt  }
0x74: {  	_ =	shalt  }
0x75: {  	_ =	shalt  }
0x76: {  	_ =	shalt  }
0x77: {  	_ =	shalt  }
0x78: {  	_ =	shalt  }
0x79: {  	_ =	shalt  }
0x7a: {  	_ =	shalt  }
0x7b: {  	_ =	shalt  }
0x7c: {  	_ =	shalt  }
0x7d: {  	_ =	shalt  }
0x7e: {  	_ =	shalt  }
0x7f: {  	_ =	shalt  }
0x80: {  	_ =	shalt  }
0x81: {  	_ =	shalt  }
0x82: {  	_ =	shalt  }
0x83: {  	_ =	shalt  }
0x84: {  	_ =	shalt  }
0x85: {  	_ =	shalt  }
0x86: {  	_ =	shalt  }
0x87: {  	_ =	shalt  }
.Lfunc_end0:
.L_simem_size_0:
called_computation_lowered:
.L_overlay_start_0:
0x88: {  	s2 =	sld [smem:$0x3FD9]  }
0x89: {  	s3 =	sld [smem:$0x3FFE];
	_ =	sdelay $0x1  }
0x8a: {  	s1 =	srdreg.scid  }
0x8b: {  	s0 =	sand.u32 $0x1, s1  }
0x8c: {  	s16 =	sshll.u32 s0, $0xA;
	s2 =	sadd.s32 s3, s2  }
0x8d: {  	s2 =	sadd.s32 s2, s16  }
0x8e: {  	[smem:$0x3FB7] =	sst s2  }
0x8f: {  	_ = 	snop  }
0x90: {  	(tm) =	ssettm $0x1  }
0x91: {  	s17 =	sld [smem:$0x3FFB];
	_ =	sdelay $0x3  }
0x92: {  	_ =	strace s17  }
0x93: {  	s2 =	sld [smem:$0x3FFC];
	_ =	sdelay $0x3  }
0x94: {  	_ =	strace s2  }
0x95: {  	s2 =	sld [smem:$0x3FFD];
	_ =	sdelay $0x3  }
0x96: {  	_ =	strace s2  }
0x97: {  	_ =	strace $0x8FFFFFFF  }
0x98: {  	s18 =	sld [smem:$0x3FDB];
	_ =	sdelay $0x1  }
0x99: {  	s19 =	simm.s32 $_scs_section_size  }
0x9a: {  	s4 =	simm.s32 $_size__tile_overlayer_lowered;
	s5 =	simm.s32 $_tile_overlayer_lowered  }
0x9b: {  	s22 =	simm.s32 $0x1BFF;
	s21 =	sshll.u32 s5, $0x1;
	s2 =	sadd.s32 s19, s18  }
0x9c: {  	s6 =	simm.s32 $0x0;
	s20 =	sshll.u32 s4, $0x1;
	s4 =	sadd.s32 s21, s2  }
0x9d: {  	[timem:s6], [sflag:s22] =	dma.local [hbm:s4], s20  }
0x9e: {  	_ =	swait.ge [sflag:s22], s20  }
0x9f: {  	s3 =	ssub.s32 $0x0, s20;
	[sflag:s22] =	ssyncset.done $0x0  }
0xa0: {  	[sflag:s22] =	ssyncadd.s32 s3;
	_ =	sdelay $0x1  }
0xa1: {  	s23 =	simm.s32 $0x1B8B  }
0xa2: {  	_ =	swait.ge [sflag:s23], $0x1  }
0xa3: {  	[sflag:s23] =	ssyncset.done $0x0  }
0xa4: {  	s25 =	simm.s32 $0x1B8E;
	s24 =	sld [smem:$0x3FFE];
	[sflag:s23] =	ssyncadd.s32 $0xFFFFFFFF  }
0xa5: {  	s26 =	simm.s32 $execute0_lowered;
	[smem:$0x3FD2] =	sst s25  }
0xa6: {  	s4 =	sshll.u32 s26, $0x1;
	_ =	strace $0x80000046;
	[dreg:$0x1] =	wrdreg $0xFFFFFFFF  }
0xa7: {  	s28 =	simm.s32 $_size_execute0_lowered;
	s2 =	sadd.s32 s2, s4;
	[dreg:$0x0] =	wrdreg $0x0  }
0xa8: {  	s4 =	sshll.u32 s28, $0x1;
	[dreg:$0x2] =	wrdreg s2  }
0xa9: {  	[dreg:$0x3] =	wrdreg s4  }
0xaa: {  	[dreg:$0x4] =	wrdreg $0xC0  }
0xab: {  	_ =	task [dreg:s6], $0x5FFFF  }
0xac: {  	[dreg:$0x1] =	wrdreg $0xFFFFFFFF  }
0xad: {  	[dreg:$0x0] =	wrdreg $0x60  }
0xae: {  	[dreg:$0x2] =	wrdreg s24  }
0xaf: {  	[dreg:$0x3] =	wrdreg $0xCB200  }
0xb0: {  	[dreg:$0x4] =	wrdreg $0x9  }
0xb1: {  	_ =	task.clear_ibuf [dreg:s6], $0x5FFFF;
	_ =	strace $0x90000046  }
0xb2: {  	s29 =	simm.s32 $0x9;
	_ =	strace $0x80000048  }
0xb3: {  	_ =	swait.ge [sflag:s29], $0x1  }
0xb4: {  	[sflag:s29] =	ssyncadd.s32 $0xFFFFFFFF  }
0xb5: {  	_ =	strace $0x90000048  }
0xb6: {  	_ =	sfence  }
0xb7: {  	s30 =	sld [smem:$0x0];
	_ =	sdelay $0x2  }
0xb8: {  	s31 =	sshll.u32 s1, $0xD;
	s1 =	sshrl.u32 s1, $0x2  }
0xb9: {  	s3 =	sand.u32 $0x4000, s31;
	s1 =	sadd.s32 s1, s30  }
0xba: {  	s0 =	sor.u32 s3, s0;
	s1 =	sshll.u32 s1, $0x11  }
0xbb: {  	s0 =	sor.u32 s1, s0  }
0xbc: {  	s0 =	sadd.s32 $0x8F2B, s0  }
0xbd: {  	[sflag:s0] =	ssyncadd.remote.s32 $0x1  }
0xbe: {  	_ =	sfence.sel $0xFFFF  }
0xbf: {  	[dreg:$0x0] =	wrdreg $0xFFFFFFFF;
	(pc) =	sbr.abs _section_cstart, $3  }
0xc0: {  	[dreg:$0x1] =	wrdreg $0xFFFFFFFF  }
0xc1: {  	_ =	task.clear_ibuf [dreg:s6], $0x2FFFF;
	_ =	strace $0x9FFFFFFF  }
0xc2: {  	(tm) =	ssettm $0x7FFFFFFF  }
0xc3: {  	_ =	shalt  }
tec
execute0_lowered:
.L_overlay_start_1:
0x0: {  	(tag) =	ssettag $0x1  }
0x1: {  	s1 =	srdreg.scid;
	s7 =	rddreg [dreg:$0x0]  }
0x2: {  	s0 =	stileid.u32;
	s2 =	rddreg [dreg:$0x1]  }
0x3: {  	s3 =	simm.s32 $0x0;
	s15 =	simm.s32 $0x2710;
	s18 =	simm.s32 $0x190  }
0x4: {  	s19 =	simm.s32 $0x4E20;
	s20 =	simm.s32 $0x1;
	s21 =	simm.s32 $0x0  }
0x5: {  	s6 =	sand.u32 $0x1, s1;
	s29 =	sshll.u32 s0, $0x1;
	s9 =	smul.u32 $0xC800, s0  }
0x6: {  	[smem:$0x7FF] =	sst s3;
	s4 =	sadd.s32 $0x77600, s7;
	s5 =	sadd.s32 $0x8FE00, s7  }
0x7: {  	s16 =	sshll.u32 s0, $0x6;
	s1 =	sor.u32 s6, s29;
	s10 =	smul.u32 $0xC8000, s6  }
0x8: {  	s6 =	ssub.s32 $0x2, s6;
	s16 =	sor.u32 $0x1C02, s16;
	s8 =	smul.u32 $0x4E2, s1  }
0x9: {  	s1 =	rddreg [dreg:$0x2];
	_ =	strace $0x80000047;
	s31 =	sshrl.u32 s9, $0x3  }
0xa: {  	s12 =	sshrl.u32 s6, $0x1;
	s17 =	sadd.s32 s9, s2;
	s30 =	sadd.s32 s9, s10  }
0xb: {  	s10 =	sadd.s32 s31, s7;
	s11 =	sadd.s32 s8, s7;
	s8 =	sshrl.u32 s30, $0x3  }
0xc: {  	s14 =	ssub.s32 s6, s12;
	s17 =	sshrl.u32 s17, $0x3;
	s13 =	sadd.s32 s8, s7  }
0xd: {  	s6 =	sadd.s32 $0xB800, s11;
	s7 =	sadd.s32 $0x1A00, s11;
	s8 =	sadd.s32 $0xA8600, s10  }
0xe: {  	s10 =	sadd.s32 $0x1F400, s11;
	s11 =	sadd.s32 $0x15600, s11;
	s9 =	sadd.s32 $0xF3600, s13  }
0xf: {  	s12 =	sadd.s32 $0xC1600, s13;
	s13 =	smax.u32 s14, $0x1;
	s14 =	simm.s32 $0x2  }
.LBB2_1:
0x10: {  	[tilespmem:s3], [sflag:$0x2] =	stream.linear.gather [hbm4b:s6+s3], $0x2710, $0x38;
	[tilespmem:$0x19320] =	vst v63  }
0x11: {  	_ =	swait.ge [sflag:s14], $0x2710  }
0x12: {  	[sflag:s14] =	ssyncset.done $0x0  }
0x13: {  	[sflag:s14] =	ssyncadd.s32 $0xFFFFD8F0  }
0x14: {  	[tilespmem:s15], [sflag:$0x2] =	stream.linear.gather [hbm4b:s7+s3], $0x2710, $0x38;
	[tilespmem:$0x19320] =	vst v63  }
0x15: {  	_ =	swait.ge [sflag:s14], $0x2710  }
0x16: {  	[sflag:s14] =	ssyncset.done $0x0  }
0x17: {  	[sflag:s14] =	ssyncadd.s32 $0xFFFFD8F0  }
0x18: {  	[spmem:s17], [sflag:s16] =	dma.local [hbm:s8], $0x1900  }
0x19: {  	_ =	swait.ge [sflag:s14], $0x1900  }
0x1a: {  	[sflag:s14] =	ssyncset.done $0x0  }
0x1b: {  	[sflag:s14] =	ssyncadd.s32 $0xFFFFE700  }
0x1c: {  	s22 =	simm.s32 $0x0;
	[bflag:$0x0] =	sbarrier.arrive $0xFFFF  }
0x1d: {  	[tilespmem:s19], [sflag:$0x1] =	stream.indirect.gather [hbm4b:s4+s18], $0x50, s22, s18, $0xb8;
	[tilespmem:$0x19320] =	vst v63  }
0x1e: {  	_ =	swait.ge [sflag:s20], $0x7D00  }
0x1f: {  	[sflag:s20] =	ssyncset.done $0x0  }
0x20: {  	s31 =	simm.s32 $0x2710;
	[sflag:s20] =	ssyncadd.s32 $0xFFFF8300  }
0x21: {  	[spmem:s2] =	stream.indirect.scatter.add.f32 [tilespmem:s19], [sflag:$0x2], $0x50, s31, s18, $0xb8;
	[tilespmem:$0x19320] =	vst v63  }
0x22: {  	_ =	swait.ge [sflag:s14], $0x7D00  }
0x23: {  	s23 =	simm.s32 $0xC80;
	s22 =	simm.s32 $0x640;
	[sflag:s14] =	ssyncset.done $0x0  }
.LBB2_2:
0x24: {  	s24 =	sshra.s32 s22, $0x2  }
0x25: {  	[sflag:s14] =	ssyncadd.s32 $0xFFFF8300;
	s22 =	smov.u32 s23;
	s25 =	sadd.s32 $0x640, s23  }
0x26: {  	[tilespmem:s19], [sflag:$0x1] =	stream.indirect.gather [hbm4b:s4+s18], $0x50, s24, s18, $0xb8;
	[tilespmem:$0x19320] =	vst v63  }
0x27: {  	p0 =	sne.s32 s23, $0x9600;
	_ =	swait.ge [sflag:s20], $0x7D00  }
.Ltmp0:
0x28: {  	[sflag:s20] =	ssyncset.done $0x0;
	(pc) =	sbr.rel @p0 .LBB2_2-.Ltmp0, $4  }
0x29: {  	s23 =	sadd.s32 $0x2710, s24;
	[sflag:s20] =	ssyncadd.s32 $0xFFFF8300  }
0x2a: {  	[spmem:s2] =	stream.indirect.scatter.add.f32 [tilespmem:s19], [sflag:$0x2], $0x50, s23, s18, $0xb8;
	[tilespmem:$0x19320] =	vst v63  }
0x2b: {  	_ =	swait.ge [sflag:s14], $0x7D00  }
0x2c: {  	s23 =	smov.u32 s25;
	[sflag:s14] =	ssyncset.done $0x0  }
0x2d: {  	s22 =	sshra.s32 s22, $0x2;
	[sflag:s14] =	ssyncadd.s32 $0xFFFF8300  }
0x2e: {  	[tilespmem:s19], [sflag:$0x1] =	stream.indirect.gather [hbm4b:s4+s18], $0x50, s22, s18, $0xb8;
	[tilespmem:$0x19320] =	vst v63  }
0x2f: {  	_ =	swait.ge [sflag:s20], $0x7D00  }
0x30: {  	[sflag:s20] =	ssyncset.done $0x0  }
0x31: {  	s22 =	sadd.s32 $0x2710, s22;
	[sflag:s20] =	ssyncadd.s32 $0xFFFF8300  }
0x32: {  	[spmem:s2] =	stream.indirect.scatter.add.f32 [tilespmem:s19], [sflag:$0x2], $0x50, s22, s18, $0xb8;
	[tilespmem:$0x19320] =	vst v63  }
0x33: {  	_ =	swait.ge [sflag:s14], $0x7D00  }
0x34: {  	[sflag:s14] =	ssyncset.done $0x0  }
0x35: {  	[sflag:s14] =	ssyncadd.s32 $0xFFFF8300  }
0x36: {  	[bflag:$0x0] =	sbarrier.arrive $0xFFFF  }
0x37: {  	[hbm:s9], [sflag:s16] =	dma.local [spmem:s17], $0x1900  }
0x38: {  	_ =	swait.ge [sflag:s14], $0x1900  }
0x39: {  	[sflag:s14] =	ssyncset.done $0x0  }
0x3a: {  	[sflag:s14] =	ssyncadd.s32 $0xFFFFE700  }
0x3b: {  	s29 =	simm.s32 $0x0;
	[bflag:$0x0] =	sbarrier.arrive $0xFFFF  }
0x3c: {  	[tilespmem:s29], [sflag:$0x2] =	stream.linear.gather [hbm4b:s10+s29], $0x2710, $0x38;
	[tilespmem:$0x19320] =	vst v63  }
0x3d: {  	_ =	swait.ge [sflag:s14], $0x2710  }
0x3e: {  	[sflag:s14] =	ssyncset.done $0x0  }
0x3f: {  	[sflag:s14] =	ssyncadd.s32 $0xFFFFD8F0  }
0x40: {  	[tilespmem:s15], [sflag:$0x2] =	stream.linear.gather [hbm4b:s11+s29], $0x2710, $0x38;
	[tilespmem:$0x19320] =	vst v63  }
0x41: {  	_ =	swait.ge [sflag:s14], $0x2710  }
0x42: {  	[sflag:s14] =	ssyncset.done $0x0  }
0x43: {  	[sflag:s14] =	ssyncadd.s32 $0xFFFFD8F0  }
0x44: {  	[spmem:s17], [sflag:s16] =	dma.local [hbm:s8], $0x1900  }
0x45: {  	_ =	swait.ge [sflag:s14], $0x1900  }
0x46: {  	[sflag:s14] =	ssyncset.done $0x0  }
0x47: {  	[sflag:s14] =	ssyncadd.s32 $0xFFFFE700  }
0x48: {  	s30 =	simm.s32 $0x0;
	[bflag:$0x0] =	sbarrier.arrive $0xFFFF  }
0x49: {  	[tilespmem:s19], [sflag:$0x1] =	stream.indirect.gather [hbm4b:s5+s18], $0x50, s30, s18, $0xb8;
	[tilespmem:$0x19320] =	vst v63  }
0x4a: {  	_ =	swait.ge [sflag:s20], $0x7D00  }
0x4b: {  	[sflag:s20] =	ssyncset.done $0x0  }
0x4c: {  	s31 =	simm.s32 $0x2710;
	[sflag:s20] =	ssyncadd.s32 $0xFFFF8300  }
0x4d: {  	[spmem:s2] =	stream.indirect.scatter.add.f32 [tilespmem:s19], [sflag:$0x2], $0x50, s31, s18, $0xb8;
	[tilespmem:$0x19320] =	vst v63  }
0x4e: {  	_ =	swait.ge [sflag:s14], $0x7D00  }
0x4f: {  	s23 =	simm.s32 $0xC80;
	s22 =	simm.s32 $0x640;
	[sflag:s14] =	ssyncset.done $0x0  }
.LBB2_4:
0x50: {  	s24 =	sshra.s32 s22, $0x2  }
0x51: {  	[sflag:s14] =	ssyncadd.s32 $0xFFFF8300;
	s22 =	smov.u32 s23;
	s25 =	sadd.s32 $0x640, s23  }
0x52: {  	[tilespmem:s19], [sflag:$0x1] =	stream.indirect.gather [hbm4b:s5+s18], $0x50, s24, s18, $0xb8;
	[tilespmem:$0x19320] =	vst v63  }
0x53: {  	p0 =	sne.s32 s23, $0x9600;
	_ =	swait.ge [sflag:s20], $0x7D00  }
.Ltmp1:
0x54: {  	[sflag:s20] =	ssyncset.done $0x0;
	(pc) =	sbr.rel @p0 .LBB2_4-.Ltmp1, $4  }
0x55: {  	s23 =	sadd.s32 $0x2710, s24;
	[sflag:s20] =	ssyncadd.s32 $0xFFFF8300  }
0x56: {  	[spmem:s2] =	stream.indirect.scatter.add.f32 [tilespmem:s19], [sflag:$0x2], $0x50, s23, s18, $0xb8;
	[tilespmem:$0x19320] =	vst v63  }
0x57: {  	_ =	swait.ge [sflag:s14], $0x7D00  }
0x58: {  	s23 =	smov.u32 s25;
	[sflag:s14] =	ssyncset.done $0x0  }
0x59: {  	s22 =	sshra.s32 s22, $0x2;
	[sflag:s14] =	ssyncadd.s32 $0xFFFF8300  }
0x5a: {  	[tilespmem:s19], [sflag:$0x1] =	stream.indirect.gather [hbm4b:s5+s18], $0x50, s22, s18, $0xb8;
	[tilespmem:$0x19320] =	vst v63  }
0x5b: {  	_ =	swait.ge [sflag:s20], $0x7D00  }
0x5c: {  	[sflag:s20] =	ssyncset.done $0x0  }
0x5d: {  	s22 =	sadd.s32 $0x2710, s22;
	[sflag:s20] =	ssyncadd.s32 $0xFFFF8300  }
0x5e: {  	[spmem:s2] =	stream.indirect.scatter.add.f32 [tilespmem:s19], [sflag:$0x2], $0x50, s22, s18, $0xb8;
	[tilespmem:$0x19320] =	vst v63  }
0x5f: {  	_ =	swait.ge [sflag:s14], $0x7D00  }
0x60: {  	[sflag:s14] =	ssyncset.done $0x0  }
0x61: {  	s21 =	sadd.s32 $0x1, s21;
	[sflag:s14] =	ssyncadd.s32 $0xFFFF8300  }
0x62: {  	p0 =	sne.s32 s21, s13;
	[bflag:$0x0] =	sbarrier.arrive $0xFFFF  }
0x63: {  	[hbm:s12], [sflag:s16] =	dma.local [spmem:s17], $0x1900  }
.Ltmp2:
0x64: {  	_ =	swait.ge [sflag:s14], $0x1900;
	(pc) =	sbr.rel @p0 .LBB2_1-.Ltmp2, $3  }
0x65: {  	[sflag:s14] =	ssyncset.done $0x0  }
0x66: {  	[sflag:s14] =	ssyncadd.s32 $0xFFFFE700  }
0x67: {  	[bflag:$0x0] =	sbarrier.arrive $0xFFFF;
	_ =	sdelay $0x1  }
0x68: {  	_ =	sfence.sel $0x180000  }
0x69: {  	[bflag:$0x0] =	sbarrier.arrive $0xFFFF  }
0x6a: {  	p0 =	sne.s32 s0, $0x0;
	_ =	strace $0x90000047  }
0x6b: {  	s0 =	sadd.s32 @!p0 $0x100000, s1;
	[bflag:$0x2] =	sbarrier.arrive $0xFFFF  }
0x6c: {  	[sflag:s0] =	ssyncadd.tile.s32 @!p0 $0x1;
	_ =	shalt  }
.Lfunc_end2:
_tile_overlayer_lowered:
.L_overlay_start_2:
0x6d: {  	(tag) =	ssettag $0x2  }
0x6e: {  	s0 =	rddreg [dreg:$0x0];
	s2 =	stileid.u32  }
0x6f: {  	s1 =	rddreg [dreg:$0x1];
	p0 =	sne.s32 s2, $0x0  }
0x70: {  	s3 =	rddreg [dreg:$0x2];
	[bflag:$0x3] =	sbarrier.arrive $0xFFFF;
	s2 =	simm.s32 @!p0 $0x1C02  }
0x71: {  	[timem:s3], [sflag:s2] =	dma.local @!p0 [hbm:s0], s1  }
0x72: {  	s0 =	simm.s32 @!p0 $0x2  }
0x73: {  	_ =	swait.ge @!p0 [sflag:s0], s1  }
0x74: {  	s1 =	ssub.s32 @!p0 $0x0, s1;
	[sflag:s0] =	ssyncset.done @!p0 $0x0  }
0x75: {  	[sflag:s0] =	ssyncadd.s32 @!p0 s1  }
0x76: {  	[bflag:$0x3] =	sbarrier.arrive $0xFFFF  }
0x77: {  	_ =	shalt  }

</sc_bundles>
